<compile_context>
chip_gen: v7x
topology: tpu7x:2x2x1
jax: 0.10.2.dev20260603
libtpu: 0.0.44.dev20260713+nightly
codegen_flags: <defaults>
</compile_context>

<pallas_src>
import dataclasses
import functools

import jax
import jax.numpy as jnp
from jax import lax
from jax.experimental import pallas as pl
from jax.experimental.pallas import tpu as pltpu
from jax.experimental.pallas import tpu_sc as plsc

N = 10000
E = 320000
NP = 10240
NC = 2
NS = 16
NW = NC * NS
RZ = NP // NS
C = 128
CH = 80
EP = NW * CH * C
BR = 512

_mesh = plsc.VectorSubcoreMesh(core_axis_name="c", subcore_axis_name="s")

_sc_params = pltpu.CompilerParams()
if "needs_layout_passes" in pltpu.CompilerParams.__dataclass_fields__:
    _sc_params = dataclasses.replace(_sc_params, needs_layout_passes=False)



def _make_deg():
    @functools.partial(
        pl.kernel,
        out_type=jax.ShapeDtypeStruct((2 * NW, NP), jnp.float32),
        mesh=_mesh,
        compiler_params=_sc_params,
        scratch_types=[
            pltpu.VMEM((CH * C,), jnp.int32),
            pltpu.VMEM((NP,), jnp.float32),
            pltpu.VMEM((NP,), jnp.float32),
            pltpu.SemaphoreType.DMA,
        ],
    )
    def deg_kernel(dst_hbm, zeros_hbm, out_hbm, dstall, dega, degb, sem):
        c = lax.axis_index("c")
        s = lax.axis_index("s")
        w = c * NS + s
        ebase = w * CH * C
        pltpu.async_copy(dst_hbm.at[pl.ds(ebase, CH * C)], dstall, sem)
        pltpu.sync_copy(zeros_hbm, dega)
        pltpu.sync_copy(zeros_hbm, degb)
        pltpu.make_async_copy(dst_hbm.at[pl.ds(ebase, CH * C)], dstall,
                              sem).wait()
        ones16 = jnp.ones((16,), jnp.float32)

        @pl.loop(0, CH)
        def _(j):
            for k in range(C // 16):
                idx = dstall[pl.ds(j * C + k * 16, 16)]
                plsc.addupdate_scatter(dega if k % 2 == 0 else degb,
                                       [idx], ones16)

        pltpu.sync_copy(dega, out_hbm.at[w])
        pltpu.sync_copy(degb, out_hbm.at[NW + w])

    return deg_kernel


def _make_agg(d):
    @functools.partial(
        pl.kernel,
        out_type=jax.ShapeDtypeStruct((NC * NP, d), jnp.float32),
        mesh=_mesh,
        compiler_params=_sc_params,
        scratch_types=[
            pltpu.VMEM((CH * C,), jnp.int32),
            pltpu.VMEM((C,), jnp.int32),
            pltpu.VMEM((C,), jnp.int32),
            pltpu.VMEM((C, d), jnp.float32),
            pltpu.VMEM((C, d), jnp.float32),
            pltpu.VMEM_SHARED((NP, d), jnp.float32),
            pltpu.SemaphoreType.DMA,
            pltpu.SemaphoreType.DMA,
            pltpu.SemaphoreType.DMA,
            pltpu.SemaphoreType.DMA,
            pltpu.SemaphoreType.DMA,
        ],
    )
    def agg_kernel(g_hbm, src_hbm, dst_hbm, zeros_hbm, out_hbm,
                   srcall, dstva, dstvb, bufa, bufb, acc,
                   semga, semgb, sems, semda, semdb):
        c = lax.axis_index("c")
        s = lax.axis_index("s")
        w = c * NS + s
        ebase = w * CH * C
        pltpu.async_copy(src_hbm.at[pl.ds(ebase, CH * C)], srcall, semga)
        pltpu.sync_copy(zeros_hbm, acc.at[pl.ds(s * RZ, RZ)])
        pltpu.make_async_copy(src_hbm.at[pl.ds(ebase, CH * C)], srcall,
                              semga).wait()
        plsc.subcore_barrier()

        def src_slice(j):
            return srcall.at[pl.ds(j * C, C)]

        def dst_slice(j):
            return dst_hbm.at[pl.ds(ebase + j * C, C)]

        pltpu.async_copy(dst_slice(0), dstva, semda)
        pltpu.async_copy(dst_slice(1), dstvb, semdb)
        pltpu.async_copy(g_hbm.at[src_slice(0)], bufa, semga)

        @pl.loop(0, CH // 2)
        def _(i):
            a = 2 * i
            b = a + 1
            pltpu.make_async_copy(dst_slice(a), dstva, semda).wait()
            pltpu.make_async_copy(g_hbm.at[src_slice(a)], bufa, semga).wait()
            pltpu.async_copy(g_hbm.at[src_slice(b)], bufb, semgb)
            hs = pltpu.async_copy(bufa, acc.at[dstva], sems, add=True)
            pltpu.make_async_copy(dst_slice(b), dstvb, semdb).wait()
            pltpu.make_async_copy(g_hbm.at[src_slice(b)], bufb, semgb).wait()
            hs.wait()

            @pl.when(i < CH // 2 - 1)
            def _():
                pltpu.async_copy(g_hbm.at[src_slice(a + 2)], bufa, semga)
                pltpu.async_copy(dst_slice(a + 2), dstva, semda)

            pltpu.sync_copy(bufb, acc.at[dstvb], add=True)

            @pl.when(i < CH // 2 - 1)
            def _():
                pltpu.async_copy(dst_slice(b + 2), dstvb, semdb)

        plsc.subcore_barrier()
        pltpu.sync_copy(acc.at[pl.ds(s * RZ, RZ)],
                        out_hbm.at[pl.ds(c * NP + s * RZ, RZ)])

    return agg_kernel


_deg_call = _make_deg()
_agg_call = _make_agg(128)



def _matmul_scale(degp, x, w):

    def body(degp_ref, x_ref, w_ref, dinv_ref, g_ref):
        deg = jnp.sum(degp_ref[...], axis=0)[:, None] + 1.0
        dinv = lax.rsqrt(deg)
        dinv_ref[...] = jnp.broadcast_to(dinv, (BR, 128))
        g_ref[...] = dinv * jnp.dot(x_ref[...], w_ref[...],
                                    preferred_element_type=jnp.float32)

    return pl.pallas_call(
        body,
        grid=(NP // BR,),
        in_specs=[
            pl.BlockSpec((2 * NW, BR), lambda i: (0, i)),
            pl.BlockSpec((BR, 128), lambda i: (i, 0)),
            pl.BlockSpec((128, 128), lambda i: (0, 0)),
        ],
        out_specs=[
            pl.BlockSpec((BR, 128), lambda i: (i, 0)),
            pl.BlockSpec((BR, 128), lambda i: (i, 0)),
        ],
        out_shape=[jax.ShapeDtypeStruct((NP, 128), jnp.float32)] * 2,
    )(degp, x, w)


def _finalize_matmul(ap, g, dinv, b, wnext):
    d = g.shape[1]
    k, m = wnext.shape

    def body(ap_ref, g_ref, dinv_ref, b_ref, w_ref, x_ref, gn_ref):
        ssum = ap_ref[0] + ap_ref[1] + g_ref[...]
        xl = jnp.maximum(dinv_ref[:, :d] * ssum + b_ref[...], 0.0)
        x_ref[...] = xl
        gn_ref[...] = dinv_ref[:, :m] * jnp.dot(
            xl, w_ref[...], preferred_element_type=jnp.float32)

    return pl.pallas_call(
        body,
        grid=(NP // BR,),
        in_specs=[
            pl.BlockSpec((2, BR, d), lambda i: (0, i, 0)),
            pl.BlockSpec((BR, d), lambda i: (i, 0)),
            pl.BlockSpec((BR, 128), lambda i: (i, 0)),
            pl.BlockSpec((1, d), lambda i: (0, 0)),
            pl.BlockSpec((k, m), lambda i: (0, 0)),
        ],
        out_specs=[
            pl.BlockSpec((BR, d), lambda i: (i, 0)),
            pl.BlockSpec((BR, m), lambda i: (i, 0)),
        ],
        out_shape=[
            jax.ShapeDtypeStruct((NP, d), jnp.float32),
            jax.ShapeDtypeStruct((NP, m), jnp.float32),
        ],
    )(ap, g, dinv, b, wnext)


def _finalize_residual(ap, g, dinv, b, x0):
    BN = 400

    def body(ap_ref, g_ref, dinv_ref, b_ref, x0_ref, o_ref):
        ssum = ap_ref[0] + ap_ref[1] + g_ref[...]
        o_ref[...] = jnp.maximum(
            dinv_ref[...] * ssum + b_ref[...] + x0_ref[...], 0.0)

    return pl.pallas_call(
        body,
        grid=(N // BN,),
        in_specs=[
            pl.BlockSpec((2, BN, 128), lambda i: (0, i, 0)),
            pl.BlockSpec((BN, 128), lambda i: (i, 0)),
            pl.BlockSpec((BN, 128), lambda i: (i, 0)),
            pl.BlockSpec((1, 128), lambda i: (0, 0)),
            pl.BlockSpec((BN, 128), lambda i: (i, 0)),
        ],
        out_specs=pl.BlockSpec((BN, 128), lambda i: (i, 0)),
        out_shape=jax.ShapeDtypeStruct((N, 128), jnp.float32),
    )(ap, g, dinv, b, x0)



def kernel(x, edge_index, W0, b0, W1, b1, W2, b2):
    src = edge_index[0]
    dst = edge_index[1]
    npad = EP - E
    spread = N + (jnp.arange(npad, dtype=jnp.int32) % (NP - N))
    srcp = jnp.concatenate([src, spread])
    dstp = jnp.concatenate([dst, spread])
    xp = jnp.pad(x, ((0, NP - N), (0, 0)))

    zeros_deg = jnp.zeros((NP,), jnp.float32)
    zeros128 = jnp.zeros((RZ, 128), jnp.float32)

    W1p = jnp.pad(W1, ((0, 0), (0, 128 - W1.shape[1])))
    b1p = jnp.pad(b1, (0, 128 - b1.shape[0]))
    W2p = jnp.pad(W2, ((0, 128 - W2.shape[0]), (0, 0)))

    degp = _deg_call(dstp, zeros_deg)
    dinv, g0 = _matmul_scale(degp, xp, W0)

    a0 = _agg_call(g0, srcp, dstp, zeros128).reshape(NC, NP, 128)
    x0, g1 = _finalize_matmul(a0, g0, dinv, b0.reshape(1, 128), W1p)

    a1 = _agg_call(g1, srcp, dstp, zeros128).reshape(NC, NP, 128)
    _, g2 = _finalize_matmul(a1, g1, dinv, b1p.reshape(1, 128), W2p)

    a2 = _agg_call(g2, srcp, dstp, zeros128).reshape(NC, NP, 128)
    return _finalize_residual(a2, g2, dinv, b2.reshape(1, 128), x0)

# --- scband reference (transcript-rebuilt; emitter-appended) ---
"""Pipeline reference for scband-gcnencoder-13580686590282 (READ-ONLY COPY).

The authoritative reference and input builder live on the scoring server;
editing this copy changes nothing except your own understanding.
"""

import jax, jax.numpy as jnp
import numpy as np

N = 10000
E = 320000
D_IN = 128
D_OUT = 128
D_HID = D_OUT // 2


def _glorot(key, shape):
    fan_in, fan_out = shape[0], shape[1]
    lim = (6.0 / (fan_in + fan_out)) ** 0.5
    return jax.random.uniform(key, shape, jnp.float32, -lim, lim)


def setup_inputs(seed: int = 0) -> dict:
    key = jax.random.key(seed)
    ks = jax.random.split(key, 8)
    x = jax.random.normal(ks[0], (N, D_IN), dtype=jnp.float32)
    edge_index = jax.random.randint(ks[1], (2, E), 0, N, dtype=jnp.int32)
    W0 = _glorot(ks[2], (D_IN, D_OUT))
    b0 = jnp.zeros((D_OUT,), jnp.float32)
    W1 = _glorot(ks[3], (D_OUT, D_HID))
    b1 = jnp.zeros((D_HID,), jnp.float32)
    W2 = _glorot(ks[4], (D_HID, D_OUT))
    b2 = jnp.zeros((D_OUT,), jnp.float32)
    return {"x": x, "edge_index": edge_index, "W0": W0, "b0": b0, "W1": W1, "b1": b1, "W2": W2, "b2": b2}


def _gcn_norm(edge_index, n):
    # add self loops (PyG GCNConv default) and compute symmetric normalization
    loop = jnp.arange(n, dtype=edge_index.dtype)
    src = jnp.concatenate([edge_index[0], loop])
    dst = jnp.concatenate([edge_index[1], loop])
    deg = jax.ops.segment_sum(jnp.ones_like(src, dtype=jnp.float32), dst, num_segments=n)
    dinv = jnp.where(deg > 0, deg ** -0.5, 0.0)
    norm = dinv[src] * dinv[dst]
    return src, dst, norm


def _gcn_conv(h, src, dst, norm, W, b, n):
    h = h @ W
    msg = h[src] * norm[:, None]
    out = jax.ops.segment_sum(msg, dst, num_segments=n)
    return out + b


def reference(x, edge_index, W0, b0, W1, b1, W2, b2):
    n = x.shape[0]
    src, dst, norm = _gcn_norm(edge_index, n)
    x0 = jax.nn.relu(_gcn_conv(x, src, dst, norm, W0, b0, n))
    h = jax.nn.relu(_gcn_conv(x0, src, dst, norm, W1, b1, n))
    h = _gcn_conv(h, src, dst, norm, W2, b2, n) + x0
    return jax.nn.relu(h)

if __name__ == "__main__":
    import jax
    _d = setup_inputs()
    print(jax.jit(kernel)(*tuple(_d.values())))

</pallas_src>

<mosaic_0001>
#map = affine_map<(d0, d1) -> (0)>
#map1 = affine_map<(d0, d1) -> (0, 0)>
module attributes {stable_mosaic.version = 14 : i64} {
  func.func @deg_kernel(%arg0: i32, %arg1: i32, %arg2: memref<327680xi32, #tpu.memory_space<hbm>>, %arg3: memref<10240xf32, #tpu.memory_space<hbm>>, %arg4: memref<64x10240xf32, #tpu.memory_space<hbm>>, %arg5: memref<10240xi32, #tpu.memory_space<vmem>>, %arg6: memref<10240xf32, #tpu.memory_space<vmem>>, %arg7: memref<10240xf32, #tpu.memory_space<vmem>>, %arg8: memref<!tpu.dma_semaphore, #tpu.memory_space<semaphore_mem>>) attributes {dimension_semantics = [#tpu.dimension_semantics<core_parallel>, #tpu.dimension_semantics<subcore_parallel>], iteration_bounds = array<i64: 2, 16>, scalar_prefetch = 0 : i64, scratch_operands = 4 : i64, tpu.core_type = #tpu.core_type<sc_vector_subcore>, window_params = [{transform_indices = #map}, {transform_indices = #map}, {transform_indices = #map1}]} {
    %mul3A = arith.constant 16 : i32
    %mul3A_0 = arith.muli %arg0, %mul3A : i32
    %add3A = arith.addi %mul3A_0, %arg1 : i32
    %mul3A_1 = arith.constant 80 : i32
    %mul3A_2 = arith.muli %add3A, %mul3A_1 : i32
    %mul3A_3 = arith.constant 128 : i32
    %mul3A_4 = arith.muli %mul3A_2, %mul3A_3 : i32
    %dma_start3A = tpu.memref_slice %arg2[%mul3A_4] : memref<327680xi32, #tpu.memory_space<hbm>> -> memref<10240xi32, #tpu.memory_space<hbm>>
    %dma_start3A_5 = tpu.memref_slice %arg2[%mul3A_4] : memref<327680xi32, #tpu.memory_space<hbm>> -> memref<10240xi32, #tpu.memory_space<hbm>>
    tpu.enqueue_dma source(%dma_start3A_5 : memref<10240xi32, #tpu.memory_space<hbm>>) target(%arg5 : memref<10240xi32, #tpu.memory_space<vmem>>) target_semaphore(%arg8 : memref<!tpu.dma_semaphore, #tpu.memory_space<semaphore_mem>>)
    "tpu.region"() ({
      %run_scoped3A = tpu.sem_alloc : memref<!tpu.dma_semaphore, #tpu.memory_space<semaphore_mem>>
      tpu.enqueue_dma source(%arg3 : memref<10240xf32, #tpu.memory_space<hbm>>) target(%arg6 : memref<10240xf32, #tpu.memory_space<vmem>>) target_semaphore(%run_scoped3A : memref<!tpu.dma_semaphore, #tpu.memory_space<semaphore_mem>>)
      tpu.wait_dma2 semaphore(%run_scoped3A : memref<!tpu.dma_semaphore, #tpu.memory_space<semaphore_mem>>) src(%arg3 : memref<10240xf32, #tpu.memory_space<hbm>>) dst(%arg6 : memref<10240xf32, #tpu.memory_space<vmem>>)
      tpu.yield
    }) : () -> ()
    "tpu.region"() ({
      %run_scoped3A = tpu.sem_alloc : memref<!tpu.dma_semaphore, #tpu.memory_space<semaphore_mem>>
      tpu.enqueue_dma source(%arg3 : memref<10240xf32, #tpu.memory_space<hbm>>) target(%arg7 : memref<10240xf32, #tpu.memory_space<vmem>>) target_semaphore(%run_scoped3A : memref<!tpu.dma_semaphore, #tpu.memory_space<semaphore_mem>>)
      tpu.wait_dma2 semaphore(%run_scoped3A : memref<!tpu.dma_semaphore, #tpu.memory_space<semaphore_mem>>) src(%arg3 : memref<10240xf32, #tpu.memory_space<hbm>>) dst(%arg7 : memref<10240xf32, #tpu.memory_space<vmem>>)
      tpu.yield
    }) : () -> ()
    %dma_wait3A = tpu.memref_slice %arg2[%mul3A_4] : memref<327680xi32, #tpu.memory_space<hbm>> -> memref<10240xi32, #tpu.memory_space<hbm>>
    %dma_wait3A_6 = tpu.memref_slice %arg2[%mul3A_4] : memref<327680xi32, #tpu.memory_space<hbm>> -> memref<10240xi32, #tpu.memory_space<hbm>>
    tpu.wait_dma2 semaphore(%arg8 : memref<!tpu.dma_semaphore, #tpu.memory_space<semaphore_mem>>) src(%dma_wait3A_6 : memref<10240xi32, #tpu.memory_space<hbm>>) dst(%arg5 : memref<10240xi32, #tpu.memory_space<vmem>>)
    %broadcast_in_dim3A = arith.constant 1.000000e+00 : f32
    %broadcast_in_dim3A_7 = vector.broadcast %broadcast_in_dim3A : f32 to vector<16xf32>
    %scan3A = arith.constant 0 : i32
    %scan3A_8 = arith.constant 80 : i32
    %scan3A_9 = arith.addi %scan3A, %scan3A_8 : i32
    %scan3A_10 = arith.constant 1 : i32
    scf.for %scan3A_14 = %scan3A to %scan3A_9 step %scan3A_10  : i32 {
      %mul3A_15 = arith.constant 1 : i32
      %mul3A_16 = arith.muli %scan3A_14, %mul3A_15 : i32
      %add3A_17 = arith.constant 0 : i32
      %add3A_18 = arith.addi %add3A_17, %mul3A_16 : i32
      %mul3A_19 = arith.constant 128 : i32
      %mul3A_20 = arith.muli %add3A_18, %mul3A_19 : i32
      %add3A_21 = arith.constant 0 : i32
      %add3A_22 = arith.addi %mul3A_20, %add3A_21 : i32
      %get3A = arith.index_cast %add3A_22 : i32 to index
      %get3A_23 = tpu.vector_load %arg5[%get3A] {strides = array<i32>} : memref<10240xi32, #tpu.memory_space<vmem>>, vector<16xi32>,
      tpu.vector_store_idx %arg6[%get3A_23], %broadcast_in_dim3A_7 {add = true} : memref<10240xf32, #tpu.memory_space<vmem>>[vector<16xi32>], vector<16xf32>,
      %mul3A_24 = arith.constant 128 : i32
      %mul3A_25 = arith.muli %add3A_18, %mul3A_24 : i32
      %add3A_26 = arith.constant 16 : i32
      %add3A_27 = arith.addi %mul3A_25, %add3A_26 : i32
      %get3A_28 = arith.index_cast %add3A_27 : i32 to index
      %get3A_29 = tpu.vector_load %arg5[%get3A_28] {strides = array<i32>} : memref<10240xi32, #tpu.memory_space<vmem>>, vector<16xi32>,
      tpu.vector_store_idx %arg7[%get3A_29], %broadcast_in_dim3A_7 {add = true} : memref<10240xf32, #tpu.memory_space<vmem>>[vector<16xi32>], vector<16xf32>,
      %mul3A_30 = arith.constant 128 : i32
      %mul3A_31 = arith.muli %add3A_18, %mul3A_30 : i32
      %add3A_32 = arith.constant 32 : i32
      %add3A_33 = arith.addi %mul3A_31, %add3A_32 : i32
      %get3A_34 = arith.index_cast %add3A_33 : i32 to index
      %get3A_35 = tpu.vector_load %arg5[%get3A_34] {strides = array<i32>} : memref<10240xi32, #tpu.memory_space<vmem>>, vector<16xi32>,
      tpu.vector_store_idx %arg6[%get3A_35], %broadcast_in_dim3A_7 {add = true} : memref<10240xf32, #tpu.memory_space<vmem>>[vector<16xi32>], vector<16xf32>,
      %mul3A_36 = arith.constant 128 : i32
      %mul3A_37 = arith.muli %add3A_18, %mul3A_36 : i32
      %add3A_38 = arith.constant 48 : i32
      %add3A_39 = arith.addi %mul3A_37, %add3A_38 : i32
      %get3A_40 = arith.index_cast %add3A_39 : i32 to index
      %get3A_41 = tpu.vector_load %arg5[%get3A_40] {strides = array<i32>} : memref<10240xi32, #tpu.memory_space<vmem>>, vector<16xi32>,
      tpu.vector_store_idx %arg7[%get3A_41], %broadcast_in_dim3A_7 {add = true} : memref<10240xf32, #tpu.memory_space<vmem>>[vector<16xi32>], vector<16xf32>,
      %mul3A_42 = arith.constant 128 : i32
      %mul3A_43 = arith.muli %add3A_18, %mul3A_42 : i32
      %add3A_44 = arith.constant 64 : i32
      %add3A_45 = arith.addi %mul3A_43, %add3A_44 : i32
      %get3A_46 = arith.index_cast %add3A_45 : i32 to index
      %get3A_47 = tpu.vector_load %arg5[%get3A_46] {strides = array<i32>} : memref<10240xi32, #tpu.memory_space<vmem>>, vector<16xi32>,
      tpu.vector_store_idx %arg6[%get3A_47], %broadcast_in_dim3A_7 {add = true} : memref<10240xf32, #tpu.memory_space<vmem>>[vector<16xi32>], vector<16xf32>,
      %mul3A_48 = arith.constant 128 : i32
      %mul3A_49 = arith.muli %add3A_18, %mul3A_48 : i32
      %add3A_50 = arith.constant 80 : i32
      %add3A_51 = arith.addi %mul3A_49, %add3A_50 : i32
      %get3A_52 = arith.index_cast %add3A_51 : i32 to index
      %get3A_53 = tpu.vector_load %arg5[%get3A_52] {strides = array<i32>} : memref<10240xi32, #tpu.memory_space<vmem>>, vector<16xi32>,
      tpu.vector_store_idx %arg7[%get3A_53], %broadcast_in_dim3A_7 {add = true} : memref<10240xf32, #tpu.memory_space<vmem>>[vector<16xi32>], vector<16xf32>,
      %mul3A_54 = arith.constant 128 : i32
      %mul3A_55 = arith.muli %add3A_18, %mul3A_54 : i32
      %add3A_56 = arith.constant 96 : i32
      %add3A_57 = arith.addi %mul3A_55, %add3A_56 : i32
      %get3A_58 = arith.index_cast %add3A_57 : i32 to index
      %get3A_59 = tpu.vector_load %arg5[%get3A_58] {strides = array<i32>} : memref<10240xi32, #tpu.memory_space<vmem>>, vector<16xi32>,
      tpu.vector_store_idx %arg6[%get3A_59], %broadcast_in_dim3A_7 {add = true} : memref<10240xf32, #tpu.memory_space<vmem>>[vector<16xi32>], vector<16xf32>,
      %mul3A_60 = arith.constant 128 : i32
      %mul3A_61 = arith.muli %add3A_18, %mul3A_60 : i32
      %add3A_62 = arith.constant 112 : i32
      %add3A_63 = arith.addi %mul3A_61, %add3A_62 : i32
      %get3A_64 = arith.index_cast %add3A_63 : i32 to index
      %get3A_65 = tpu.vector_load %arg5[%get3A_64] {strides = array<i32>} : memref<10240xi32, #tpu.memory_space<vmem>>, vector<16xi32>,
      tpu.vector_store_idx %arg7[%get3A_65], %broadcast_in_dim3A_7 {add = true} : memref<10240xf32, #tpu.memory_space<vmem>>[vector<16xi32>], vector<16xf32>,
    }
    %scan3A_11 = arith.constant 80 : i32
    "tpu.region"() ({
      %run_scoped3A = tpu.sem_alloc : memref<!tpu.dma_semaphore, #tpu.memory_space<semaphore_mem>>
      %dma_start3A_14 = arith.constant 0 : i32
      %dma_start3A_15 = tpu.memref_slice %arg4[%add3A, %dma_start3A_14] : memref<64x10240xf32, #tpu.memory_space<hbm>> -> memref<1x10240xf32, #tpu.memory_space<hbm>>
      %dma_start3A_16 = tpu.memref_squeeze %dma_start3A_15 : memref<1x10240xf32, #tpu.memory_space<hbm>> -> memref<10240xf32, #tpu.memory_space<hbm>>
      %dma_start3A_17 = arith.constant 0 : i32
      %dma_start3A_18 = tpu.memref_slice %arg4[%add3A, %dma_start3A_17] : memref<64x10240xf32, #tpu.memory_space<hbm>> -> memref<1x10240xf32, #tpu.memory_space<hbm>>
      %dma_start3A_19 = tpu.memref_squeeze %dma_start3A_18 : memref<1x10240xf32, #tpu.memory_space<hbm>> -> memref<10240xf32, #tpu.memory_space<hbm>>
      tpu.enqueue_dma source(%arg6 : memref<10240xf32, #tpu.memory_space<vmem>>) target(%dma_start3A_19 : memref<10240xf32, #tpu.memory_space<hbm>>) target_semaphore(%run_scoped3A : memref<!tpu.dma_semaphore, #tpu.memory_space<semaphore_mem>>)
      %dma_wait3A_20 = arith.constant 0 : i32
      %dma_wait3A_21 = tpu.memref_slice %arg4[%add3A, %dma_wait3A_20] : memref<64x10240xf32, #tpu.memory_space<hbm>> -> memref<1x10240xf32, #tpu.memory_space<hbm>>
      %dma_wait3A_22 = tpu.memref_squeeze %dma_wait3A_21 : memref<1x10240xf32, #tpu.memory_space<hbm>> -> memref<10240xf32, #tpu.memory_space<hbm>>
      %dma_wait3A_23 = arith.constant 0 : i32
      %dma_wait3A_24 = tpu.memref_slice %arg4[%add3A, %dma_wait3A_23] : memref<64x10240xf32, #tpu.memory_space<hbm>> -> memref<1x10240xf32, #tpu.memory_space<hbm>>
      %dma_wait3A_25 = tpu.memref_squeeze %dma_wait3A_24 : memref<1x10240xf32, #tpu.memory_space<hbm>> -> memref<10240xf32, #tpu.memory_space<hbm>>
      tpu.wait_dma2 semaphore(%run_scoped3A : memref<!tpu.dma_semaphore, #tpu.memory_space<semaphore_mem>>) src(%arg6 : memref<10240xf32, #tpu.memory_space<vmem>>) dst(%dma_wait3A_25 : memref<10240xf32, #tpu.memory_space<hbm>>)
      tpu.yield
    }) : () -> ()
    %add3A_12 = arith.constant 32 : i32
    %add3A_13 = arith.addi %add3A_12, %add3A : i32
    "tpu.region"() ({
      %run_scoped3A = tpu.sem_alloc : memref<!tpu.dma_semaphore, #tpu.memory_space<semaphore_mem>>
      %dma_start3A_14 = arith.constant 0 : i32
      %dma_start3A_15 = tpu.memref_slice %arg4[%add3A_13, %dma_start3A_14] : memref<64x10240xf32, #tpu.memory_space<hbm>> -> memref<1x10240xf32, #tpu.memory_space<hbm>>
      %dma_start3A_16 = tpu.memref_squeeze %dma_start3A_15 : memref<1x10240xf32, #tpu.memory_space<hbm>> -> memref<10240xf32, #tpu.memory_space<hbm>>
      %dma_start3A_17 = arith.constant 0 : i32
      %dma_start3A_18 = tpu.memref_slice %arg4[%add3A_13, %dma_start3A_17] : memref<64x10240xf32, #tpu.memory_space<hbm>> -> memref<1x10240xf32, #tpu.memory_space<hbm>>
      %dma_start3A_19 = tpu.memref_squeeze %dma_start3A_18 : memref<1x10240xf32, #tpu.memory_space<hbm>> -> memref<10240xf32, #tpu.memory_space<hbm>>
      tpu.enqueue_dma source(%arg7 : memref<10240xf32, #tpu.memory_space<vmem>>) target(%dma_start3A_19 : memref<10240xf32, #tpu.memory_space<hbm>>) target_semaphore(%run_scoped3A : memref<!tpu.dma_semaphore, #tpu.memory_space<semaphore_mem>>)
      %dma_wait3A_20 = arith.constant 0 : i32
      %dma_wait3A_21 = tpu.memref_slice %arg4[%add3A_13, %dma_wait3A_20] : memref<64x10240xf32, #tpu.memory_space<hbm>> -> memref<1x10240xf32, #tpu.memory_space<hbm>>
      %dma_wait3A_22 = tpu.memref_squeeze %dma_wait3A_21 : memref<1x10240xf32, #tpu.memory_space<hbm>> -> memref<10240xf32, #tpu.memory_space<hbm>>
      %dma_wait3A_23 = arith.constant 0 : i32
      %dma_wait3A_24 = tpu.memref_slice %arg4[%add3A_13, %dma_wait3A_23] : memref<64x10240xf32, #tpu.memory_space<hbm>> -> memref<1x10240xf32, #tpu.memory_space<hbm>>
      %dma_wait3A_25 = tpu.memref_squeeze %dma_wait3A_24 : memref<1x10240xf32, #tpu.memory_space<hbm>> -> memref<10240xf32, #tpu.memory_space<hbm>>
      tpu.wait_dma2 semaphore(%run_scoped3A : memref<!tpu.dma_semaphore, #tpu.memory_space<semaphore_mem>>) src(%arg7 : memref<10240xf32, #tpu.memory_space<vmem>>) dst(%dma_wait3A_25 : memref<10240xf32, #tpu.memory_space<hbm>>)
      tpu.yield
    }) : () -> ()
    return
  }
}

#map = affine_map<(d0, d1) -> (0, 0)>
#map1 = affine_map<(d0, d1) -> (0)>
module attributes {stable_mosaic.version = 14 : i64} {
  func.func @agg_kernel(%arg0: i32, %arg1: i32, %arg2: memref<10240x128xf32, #tpu.memory_space<hbm>>, %arg3: memref<327680xi32, #tpu.memory_space<hbm>>, %arg4: memref<327680xi32, #tpu.memory_space<hbm>>, %arg5: memref<640x128xf32, #tpu.memory_space<hbm>>, %arg6: memref<20480x128xf32, #tpu.memory_space<hbm>>, %arg7: memref<10240xi32, #tpu.memory_space<vmem>>, %arg8: memref<128xi32, #tpu.memory_space<vmem>>, %arg9: memref<128xi32, #tpu.memory_space<vmem>>, %arg10: memref<128x128xf32, #tpu.memory_space<vmem>>, %arg11: memref<128x128xf32, #tpu.memory_space<vmem>>, %arg12: memref<10240x128xf32, #tpu.memory_space<vmem_shared>>, %arg13: memref<!tpu.dma_semaphore, #tpu.memory_space<semaphore_mem>>, %arg14: memref<!tpu.dma_semaphore, #tpu.memory_space<semaphore_mem>>, %arg15: memref<!tpu.dma_semaphore, #tpu.memory_space<semaphore_mem>>, %arg16: memref<!tpu.dma_semaphore, #tpu.memory_space<semaphore_mem>>, %arg17: memref<!tpu.dma_semaphore, #tpu.memory_space<semaphore_mem>>) attributes {dimension_semantics = [#tpu.dimension_semantics<core_parallel>, #tpu.dimension_semantics<subcore_parallel>], iteration_bounds = array<i64: 2, 16>, scalar_prefetch = 0 : i64, scratch_operands = 11 : i64, tpu.core_type = #tpu.core_type<sc_vector_subcore>, window_params = [{transform_indices = #map}, {transform_indices = #map1}, {transform_indices = #map1}, {transform_indices = #map}, {transform_indices = #map}]} {
    %mul3A = arith.constant 16 : i32
    %mul3A_0 = arith.muli %arg0, %mul3A : i32
    %add3A = arith.addi %mul3A_0, %arg1 : i32
    %mul3A_1 = arith.constant 80 : i32
    %mul3A_2 = arith.muli %add3A, %mul3A_1 : i32
    %mul3A_3 = arith.constant 128 : i32
    %mul3A_4 = arith.muli %mul3A_2, %mul3A_3 : i32
    %dma_start3A = tpu.memref_slice %arg3[%mul3A_4] : memref<327680xi32, #tpu.memory_space<hbm>> -> memref<10240xi32, #tpu.memory_space<hbm>>
    %dma_start3A_5 = tpu.memref_slice %arg3[%mul3A_4] : memref<327680xi32, #tpu.memory_space<hbm>> -> memref<10240xi32, #tpu.memory_space<hbm>>
    tpu.enqueue_dma source(%dma_start3A_5 : memref<10240xi32, #tpu.memory_space<hbm>>) target(%arg7 : memref<10240xi32, #tpu.memory_space<vmem>>) target_semaphore(%arg13 : memref<!tpu.dma_semaphore, #tpu.memory_space<semaphore_mem>>)
    %mul3A_6 = arith.constant 640 : i32
    %mul3A_7 = arith.muli %arg1, %mul3A_6 : i32
    "tpu.region"() ({
      %run_scoped3A = tpu.sem_alloc : memref<!tpu.dma_semaphore, #tpu.memory_space<semaphore_mem>>
      %dma_start3A_34 = arith.constant 0 : i32
      %dma_start3A_35 = tpu.memref_slice %arg12[%mul3A_7, %dma_start3A_34] : memref<10240x128xf32, #tpu.memory_space<vmem_shared>> -> memref<640x128xf32, #tpu.memory_space<vmem_shared>>
      tpu.enqueue_dma source(%arg5 : memref<640x128xf32, #tpu.memory_space<hbm>>) target(%dma_start3A_35 : memref<640x128xf32, #tpu.memory_space<vmem_shared>>) target_semaphore(%run_scoped3A : memref<!tpu.dma_semaphore, #tpu.memory_space<semaphore_mem>>)
      %dma_wait3A_36 = arith.constant 0 : i32
      %dma_wait3A_37 = tpu.memref_slice %arg12[%mul3A_7, %dma_wait3A_36] : memref<10240x128xf32, #tpu.memory_space<vmem_shared>> -> memref<640x128xf32, #tpu.memory_space<vmem_shared>>
      tpu.wait_dma2 semaphore(%run_scoped3A : memref<!tpu.dma_semaphore, #tpu.memory_space<semaphore_mem>>) src(%arg5 : memref<640x128xf32, #tpu.memory_space<hbm>>) dst(%dma_wait3A_37 : memref<640x128xf32, #tpu.memory_space<vmem_shared>>)
      tpu.yield
    }) : () -> ()
    %dma_wait3A = tpu.memref_slice %arg3[%mul3A_4] : memref<327680xi32, #tpu.memory_space<hbm>> -> memref<10240xi32, #tpu.memory_space<hbm>>
    %dma_wait3A_8 = tpu.memref_slice %arg3[%mul3A_4] : memref<327680xi32, #tpu.memory_space<hbm>> -> memref<10240xi32, #tpu.memory_space<hbm>>
    tpu.wait_dma2 semaphore(%arg13 : memref<!tpu.dma_semaphore, #tpu.memory_space<semaphore_mem>>) src(%dma_wait3A_8 : memref<10240xi32, #tpu.memory_space<hbm>>) dst(%arg7 : memref<10240xi32, #tpu.memory_space<vmem>>)
    %barrier3A = arith.constant 0 : index
    tpu.barrier barrier_id(%barrier3A)
    %add3A_9 = arith.constant 0 : i32
    %add3A_10 = arith.addi %mul3A_4, %add3A_9 : i32
    %dma_start3A_11 = tpu.memref_slice %arg4[%add3A_10] : memref<327680xi32, #tpu.memory_space<hbm>> -> memref<128xi32, #tpu.memory_space<hbm>>
    %dma_start3A_12 = tpu.memref_slice %arg4[%add3A_10] : memref<327680xi32, #tpu.memory_space<hbm>> -> memref<128xi32, #tpu.memory_space<hbm>>
    tpu.enqueue_dma source(%dma_start3A_12 : memref<128xi32, #tpu.memory_space<hbm>>) target(%arg8 : memref<128xi32, #tpu.memory_space<vmem>>) target_semaphore(%arg16 : memref<!tpu.dma_semaphore, #tpu.memory_space<semaphore_mem>>)
    %add3A_13 = arith.constant 128 : i32
    %add3A_14 = arith.addi %mul3A_4, %add3A_13 : i32
    %dma_start3A_15 = tpu.memref_slice %arg4[%add3A_14] : memref<327680xi32, #tpu.memory_space<hbm>> -> memref<128xi32, #tpu.memory_space<hbm>>
    %dma_start3A_16 = tpu.memref_slice %arg4[%add3A_14] : memref<327680xi32, #tpu.memory_space<hbm>> -> memref<128xi32, #tpu.memory_space<hbm>>
    tpu.enqueue_dma source(%dma_start3A_16 : memref<128xi32, #tpu.memory_space<hbm>>) target(%arg9 : memref<128xi32, #tpu.memory_space<vmem>>) target_semaphore(%arg17 : memref<!tpu.dma_semaphore, #tpu.memory_space<semaphore_mem>>)
    %dma_start3A_17 = arith.constant 0 : i32
    %dma_start3A_18 = tpu.memref_slice %arg7[%dma_start3A_17] : memref<10240xi32, #tpu.memory_space<vmem>> -> memref<128xi32, #tpu.memory_space<vmem>>
    %dma_start3A_19 = arith.constant 0 : i32
    %dma_start3A_20 = arith.constant 0 : i32
    %dma_start3A_21 = tpu.memref_slice %arg2[%dma_start3A_19, %dma_start3A_20] : memref<10240x128xf32, #tpu.memory_space<hbm>> -> memref<10240x128xf32, #tpu.memory_space<hbm>>
    tpu.enqueue_indirect_dma source(%dma_start3A_21 : memref<10240x128xf32, #tpu.memory_space<hbm>>) target(%arg10 : memref<128x128xf32, #tpu.memory_space<vmem>>) offsets(%dma_start3A_18 : memref<128xi32, #tpu.memory_space<vmem>>) semaphore(%arg13 : memref<!tpu.dma_semaphore, #tpu.memory_space<semaphore_mem>>)
    %scan3A = arith.constant 0 : i32
    %scan3A_22 = arith.constant 40 : i32
    %scan3A_23 = arith.addi %scan3A, %scan3A_22 : i32
    %scan3A_24 = arith.constant 1 : i32
    scf.for %scan3A_34 = %scan3A to %scan3A_23 step %scan3A_24  : i32 {
      %mul3A_35 = arith.constant 1 : i32
      %mul3A_36 = arith.muli %scan3A_34, %mul3A_35 : i32
      %add3A_37 = arith.constant 0 : i32
      %add3A_38 = arith.addi %add3A_37, %mul3A_36 : i32
      %mul3A_39 = arith.constant 2 : i32
      %mul3A_40 = arith.muli %mul3A_39, %add3A_38 : i32
      %add3A_41 = arith.constant 1 : i32
      %add3A_42 = arith.addi %mul3A_40, %add3A_41 : i32
      %mul3A_43 = arith.constant 128 : i32
      %mul3A_44 = arith.muli %mul3A_40, %mul3A_43 : i32
      %add3A_45 = arith.addi %mul3A_4, %mul3A_44 : i32
      %dma_wait3A_46 = tpu.memref_slice %arg4[%add3A_45] : memref<327680xi32, #tpu.memory_space<hbm>> -> memref<128xi32, #tpu.memory_space<hbm>>
      %dma_wait3A_47 = tpu.memref_slice %arg4[%add3A_45] : memref<327680xi32, #tpu.memory_space<hbm>> -> memref<128xi32, #tpu.memory_space<hbm>>
      tpu.wait_dma2 semaphore(%arg16 : memref<!tpu.dma_semaphore, #tpu.memory_space<semaphore_mem>>) src(%dma_wait3A_47 : memref<128xi32, #tpu.memory_space<hbm>>) dst(%arg8 : memref<128xi32, #tpu.memory_space<vmem>>)
      %mul3A_48 = arith.constant 128 : i32
      %mul3A_49 = arith.muli %mul3A_40, %mul3A_48 : i32
      %dma_wait3A_50 = tpu.memref_slice %arg7[%mul3A_49] : memref<10240xi32, #tpu.memory_space<vmem>> -> memref<128xi32, #tpu.memory_space<vmem>>
      %dma_wait3A_51 = arith.constant 0 : i32
      %dma_wait3A_52 = arith.constant 0 : i32
      %dma_wait3A_53 = tpu.memref_slice %arg2[%dma_wait3A_51, %dma_wait3A_52] : memref<10240x128xf32, #tpu.memory_space<hbm>> -> memref<10240x128xf32, #tpu.memory_space<hbm>>
      tpu.wait_indirect_dma semaphore(%arg13 : memref<!tpu.dma_semaphore, #tpu.memory_space<semaphore_mem>>) src(%dma_wait3A_53 : memref<10240x128xf32, #tpu.memory_space<hbm>>) dst(%arg10 : memref<128x128xf32, #tpu.memory_space<vmem>>)
      %mul3A_54 = arith.constant 128 : i32
      %mul3A_55 = arith.muli %add3A_42, %mul3A_54 : i32
      %dma_start3A_56 = tpu.memref_slice %arg7[%mul3A_55] : memref<10240xi32, #tpu.memory_space<vmem>> -> memref<128xi32, #tpu.memory_space<vmem>>
      %dma_start3A_57 = arith.constant 0 : i32
      %dma_start3A_58 = arith.constant 0 : i32
      %dma_start3A_59 = tpu.memref_slice %arg2[%dma_start3A_57, %dma_start3A_58] : memref<10240x128xf32, #tpu.memory_space<hbm>> -> memref<10240x128xf32, #tpu.memory_space<hbm>>
      tpu.enqueue_indirect_dma source(%dma_start3A_59 : memref<10240x128xf32, #tpu.memory_space<hbm>>) target(%arg11 : memref<128x128xf32, #tpu.memory_space<vmem>>) offsets(%dma_start3A_56 : memref<128xi32, #tpu.memory_space<vmem>>) semaphore(%arg14 : memref<!tpu.dma_semaphore, #tpu.memory_space<semaphore_mem>>)
      %dma_start3A_60 = arith.constant 0 : i32
      %dma_start3A_61 = arith.constant 0 : i32
      %dma_start3A_62 = tpu.memref_slice %arg12[%dma_start3A_60, %dma_start3A_61] : memref<10240x128xf32, #tpu.memory_space<vmem_shared>> -> memref<10240x128xf32, #tpu.memory_space<vmem_shared>>
      tpu.enqueue_indirect_dma source(%arg10 : memref<128x128xf32, #tpu.memory_space<vmem>>) target(%dma_start3A_62 : memref<10240x128xf32, #tpu.memory_space<vmem_shared>>) offsets(%arg8 : memref<128xi32, #tpu.memory_space<vmem>>) semaphore(%arg15 : memref<!tpu.dma_semaphore, #tpu.memory_space<semaphore_mem>>) {add = true}
      %mul3A_63 = arith.constant 128 : i32
      %mul3A_64 = arith.muli %add3A_42, %mul3A_63 : i32
      %add3A_65 = arith.addi %mul3A_4, %mul3A_64 : i32
      %dma_wait3A_66 = tpu.memref_slice %arg4[%add3A_65] : memref<327680xi32, #tpu.memory_space<hbm>> -> memref<128xi32, #tpu.memory_space<hbm>>
      %dma_wait3A_67 = tpu.memref_slice %arg4[%add3A_65] : memref<327680xi32, #tpu.memory_space<hbm>> -> memref<128xi32, #tpu.memory_space<hbm>>
      tpu.wait_dma2 semaphore(%arg17 : memref<!tpu.dma_semaphore, #tpu.memory_space<semaphore_mem>>) src(%dma_wait3A_67 : memref<128xi32, #tpu.memory_space<hbm>>) dst(%arg9 : memref<128xi32, #tpu.memory_space<vmem>>)
      %mul3A_68 = arith.constant 128 : i32
      %mul3A_69 = arith.muli %add3A_42, %mul3A_68 : i32
      %dma_wait3A_70 = tpu.memref_slice %arg7[%mul3A_69] : memref<10240xi32, #tpu.memory_space<vmem>> -> memref<128xi32, #tpu.memory_space<vmem>>
      %dma_wait3A_71 = arith.constant 0 : i32
      %dma_wait3A_72 = arith.constant 0 : i32
      %dma_wait3A_73 = tpu.memref_slice %arg2[%dma_wait3A_71, %dma_wait3A_72] : memref<10240x128xf32, #tpu.memory_space<hbm>> -> memref<10240x128xf32, #tpu.memory_space<hbm>>
      tpu.wait_indirect_dma semaphore(%arg14 : memref<!tpu.dma_semaphore, #tpu.memory_space<semaphore_mem>>) src(%dma_wait3A_73 : memref<10240x128xf32, #tpu.memory_space<hbm>>) dst(%arg11 : memref<128x128xf32, #tpu.memory_space<vmem>>)
      %dma_wait3A_74 = arith.constant 0 : i32
      %dma_wait3A_75 = arith.constant 0 : i32
      %dma_wait3A_76 = tpu.memref_slice %arg12[%dma_wait3A_74, %dma_wait3A_75] : memref<10240x128xf32, #tpu.memory_space<vmem_shared>> -> memref<10240x128xf32, #tpu.memory_space<vmem_shared>>
      tpu.wait_indirect_dma semaphore(%arg15 : memref<!tpu.dma_semaphore, #tpu.memory_space<semaphore_mem>>) src(%arg10 : memref<128x128xf32, #tpu.memory_space<vmem>>) dst(%dma_wait3A_76 : memref<10240x128xf32, #tpu.memory_space<vmem_shared>>)
      %lt3A = arith.constant 39 : i32
      %lt3A_77 = arith.cmpi slt, %add3A_38, %lt3A : i32
      %convert_element_type3A = arith.extui %lt3A_77 : i1 to i32
      %cond3A = arith.constant 0 : i32
      %cond3A_78 = arith.cmpi ne, %convert_element_type3A, %cond3A : i32
      scf.if %cond3A_78 {
        %add3A_84 = arith.constant 2 : i32
        %add3A_85 = arith.addi %mul3A_40, %add3A_84 : i32
        %mul3A_86 = arith.constant 128 : i32
        %mul3A_87 = arith.muli %add3A_85, %mul3A_86 : i32
        %dma_start3A_88 = tpu.memref_slice %arg7[%mul3A_87] : memref<10240xi32, #tpu.memory_space<vmem>> -> memref<128xi32, #tpu.memory_space<vmem>>
        %dma_start3A_89 = arith.constant 0 : i32
        %dma_start3A_90 = arith.constant 0 : i32
        %dma_start3A_91 = tpu.memref_slice %arg2[%dma_start3A_89, %dma_start3A_90] : memref<10240x128xf32, #tpu.memory_space<hbm>> -> memref<10240x128xf32, #tpu.memory_space<hbm>>
        tpu.enqueue_indirect_dma source(%dma_start3A_91 : memref<10240x128xf32, #tpu.memory_space<hbm>>) target(%arg10 : memref<128x128xf32, #tpu.memory_space<vmem>>) offsets(%dma_start3A_88 : memref<128xi32, #tpu.memory_space<vmem>>) semaphore(%arg13 : memref<!tpu.dma_semaphore, #tpu.memory_space<semaphore_mem>>)
        %add3A_92 = arith.constant 2 : i32
        %add3A_93 = arith.addi %mul3A_40, %add3A_92 : i32
        %mul3A_94 = arith.constant 128 : i32
        %mul3A_95 = arith.muli %add3A_93, %mul3A_94 : i32
        %add3A_96 = arith.addi %mul3A_4, %mul3A_95 : i32
        %dma_start3A_97 = tpu.memref_slice %arg4[%add3A_96] : memref<327680xi32, #tpu.memory_space<hbm>> -> memref<128xi32, #tpu.memory_space<hbm>>
        %dma_start3A_98 = tpu.memref_slice %arg4[%add3A_96] : memref<327680xi32, #tpu.memory_space<hbm>> -> memref<128xi32, #tpu.memory_space<hbm>>
        tpu.enqueue_dma source(%dma_start3A_98 : memref<128xi32, #tpu.memory_space<hbm>>) target(%arg8 : memref<128xi32, #tpu.memory_space<vmem>>) target_semaphore(%arg16 : memref<!tpu.dma_semaphore, #tpu.memory_space<semaphore_mem>>)
      } else {
      }
      "tpu.region"() ({
        %run_scoped3A = tpu.sem_alloc : memref<!tpu.dma_semaphore, #tpu.memory_space<semaphore_mem>>
        %dma_start3A_84 = arith.constant 0 : i32
        %dma_start3A_85 = arith.constant 0 : i32
        %dma_start3A_86 = tpu.memref_slice %arg12[%dma_start3A_84, %dma_start3A_85] : memref<10240x128xf32, #tpu.memory_space<vmem_shared>> -> memref<10240x128xf32, #tpu.memory_space<vmem_shared>>
        tpu.enqueue_indirect_dma source(%arg11 : memref<128x128xf32, #tpu.memory_space<vmem>>) target(%dma_start3A_86 : memref<10240x128xf32, #tpu.memory_space<vmem_shared>>) offsets(%arg9 : memref<128xi32, #tpu.memory_space<vmem>>) semaphore(%run_scoped3A : memref<!tpu.dma_semaphore, #tpu.memory_space<semaphore_mem>>) {add = true}
        %dma_wait3A_87 = arith.constant 0 : i32
        %dma_wait3A_88 = arith.constant 0 : i32
        %dma_wait3A_89 = tpu.memref_slice %arg12[%dma_wait3A_87, %dma_wait3A_88] : memref<10240x128xf32, #tpu.memory_space<vmem_shared>> -> memref<10240x128xf32, #tpu.memory_space<vmem_shared>>
        tpu.wait_indirect_dma semaphore(%run_scoped3A : memref<!tpu.dma_semaphore, #tpu.memory_space<semaphore_mem>>) src(%arg11 : memref<128x128xf32, #tpu.memory_space<vmem>>) dst(%dma_wait3A_89 : memref<10240x128xf32, #tpu.memory_space<vmem_shared>>)
        tpu.yield
      }) : () -> ()
      %lt3A_79 = arith.constant 39 : i32
      %lt3A_80 = arith.cmpi slt, %add3A_38, %lt3A_79 : i32
      %convert_element_type3A_81 = arith.extui %lt3A_80 : i1 to i32
      %cond3A_82 = arith.constant 0 : i32
      %cond3A_83 = arith.cmpi ne, %convert_element_type3A_81, %cond3A_82 : i32
      scf.if %cond3A_83 {
        %add3A_84 = arith.constant 2 : i32
        %add3A_85 = arith.addi %add3A_42, %add3A_84 : i32
        %mul3A_86 = arith.constant 128 : i32
        %mul3A_87 = arith.muli %add3A_85, %mul3A_86 : i32
        %add3A_88 = arith.addi %mul3A_4, %mul3A_87 : i32
        %dma_start3A_89 = tpu.memref_slice %arg4[%add3A_88] : memref<327680xi32, #tpu.memory_space<hbm>> -> memref<128xi32, #tpu.memory_space<hbm>>
        %dma_start3A_90 = tpu.memref_slice %arg4[%add3A_88] : memref<327680xi32, #tpu.memory_space<hbm>> -> memref<128xi32, #tpu.memory_space<hbm>>
        tpu.enqueue_dma source(%dma_start3A_90 : memref<128xi32, #tpu.memory_space<hbm>>) target(%arg9 : memref<128xi32, #tpu.memory_space<vmem>>) target_semaphore(%arg17 : memref<!tpu.dma_semaphore, #tpu.memory_space<semaphore_mem>>)
      } else {
      }
    }
    %scan3A_25 = arith.constant 40 : i32
    %barrier3A_26 = arith.constant 0 : index
    tpu.barrier barrier_id(%barrier3A_26)
    %mul3A_27 = arith.constant 640 : i32
    %mul3A_28 = arith.muli %arg1, %mul3A_27 : i32
    %mul3A_29 = arith.constant 10240 : i32
    %mul3A_30 = arith.muli %arg0, %mul3A_29 : i32
    %mul3A_31 = arith.constant 640 : i32
    %mul3A_32 = arith.muli %arg1, %mul3A_31 : i32
    %add3A_33 = arith.addi %mul3A_30, %mul3A_32 : i32
    "tpu.region"() ({
      %run_scoped3A = tpu.sem_alloc : memref<!tpu.dma_semaphore, #tpu.memory_space<semaphore_mem>>
      %dma_start3A_34 = arith.constant 0 : i32
      %dma_start3A_35 = tpu.memref_slice %arg6[%add3A_33, %dma_start3A_34] : memref<20480x128xf32, #tpu.memory_space<hbm>> -> memref<640x128xf32, #tpu.memory_space<hbm>>
      %dma_start3A_36 = arith.constant 0 : i32
      %dma_start3A_37 = tpu.memref_slice %arg12[%mul3A_28, %dma_start3A_36] : memref<10240x128xf32, #tpu.memory_space<vmem_shared>> -> memref<640x128xf32, #tpu.memory_space<vmem_shared>>
      tpu.enqueue_dma source(%dma_start3A_37 : memref<640x128xf32, #tpu.memory_space<vmem_shared>>) target(%dma_start3A_35 : memref<640x128xf32, #tpu.memory_space<hbm>>) target_semaphore(%run_scoped3A : memref<!tpu.dma_semaphore, #tpu.memory_space<semaphore_mem>>)
      %dma_wait3A_38 = arith.constant 0 : i32
      %dma_wait3A_39 = tpu.memref_slice %arg6[%add3A_33, %dma_wait3A_38] : memref<20480x128xf32, #tpu.memory_space<hbm>> -> memref<640x128xf32, #tpu.memory_space<hbm>>
      %dma_wait3A_40 = arith.constant 0 : i32
      %dma_wait3A_41 = tpu.memref_slice %arg12[%mul3A_28, %dma_wait3A_40] : memref<10240x128xf32, #tpu.memory_space<vmem_shared>> -> memref<640x128xf32, #tpu.memory_space<vmem_shared>>
      tpu.wait_dma2 semaphore(%run_scoped3A : memref<!tpu.dma_semaphore, #tpu.memory_space<semaphore_mem>>) src(%dma_wait3A_41 : memref<640x128xf32, #tpu.memory_space<vmem_shared>>) dst(%dma_wait3A_39 : memref<640x128xf32, #tpu.memory_space<hbm>>)
      tpu.yield
    }) : () -> ()
    return
  }
}

#map = affine_map<(d0, d1) -> (0, 0)>
#map1 = affine_map<(d0, d1) -> (0)>
module attributes {stable_mosaic.version = 14 : i64} {
  func.func @agg_kernel(%arg0: i32, %arg1: i32, %arg2: memref<10240x128xf32, #tpu.memory_space<hbm>>, %arg3: memref<327680xi32, #tpu.memory_space<hbm>>, %arg4: memref<327680xi32, #tpu.memory_space<hbm>>, %arg5: memref<640x128xf32, #tpu.memory_space<hbm>>, %arg6: memref<20480x128xf32, #tpu.memory_space<hbm>>, %arg7: memref<10240xi32, #tpu.memory_space<vmem>>, %arg8: memref<128xi32, #tpu.memory_space<vmem>>, %arg9: memref<128xi32, #tpu.memory_space<vmem>>, %arg10: memref<128x128xf32, #tpu.memory_space<vmem>>, %arg11: memref<128x128xf32, #tpu.memory_space<vmem>>, %arg12: memref<10240x128xf32, #tpu.memory_space<vmem_shared>>, %arg13: memref<!tpu.dma_semaphore, #tpu.memory_space<semaphore_mem>>, %arg14: memref<!tpu.dma_semaphore, #tpu.memory_space<semaphore_mem>>, %arg15: memref<!tpu.dma_semaphore, #tpu.memory_space<semaphore_mem>>, %arg16: memref<!tpu.dma_semaphore, #tpu.memory_space<semaphore_mem>>, %arg17: memref<!tpu.dma_semaphore, #tpu.memory_space<semaphore_mem>>) attributes {dimension_semantics = [#tpu.dimension_semantics<core_parallel>, #tpu.dimension_semantics<subcore_parallel>], iteration_bounds = array<i64: 2, 16>, scalar_prefetch = 0 : i64, scratch_operands = 11 : i64, tpu.core_type = #tpu.core_type<sc_vector_subcore>, window_params = [{transform_indices = #map}, {transform_indices = #map1}, {transform_indices = #map1}, {transform_indices = #map}, {transform_indices = #map}]} {
    %mul3A = arith.constant 16 : i32
    %mul3A_0 = arith.muli %arg0, %mul3A : i32
    %add3A = arith.addi %mul3A_0, %arg1 : i32
    %mul3A_1 = arith.constant 80 : i32
    %mul3A_2 = arith.muli %add3A, %mul3A_1 : i32
    %mul3A_3 = arith.constant 128 : i32
    %mul3A_4 = arith.muli %mul3A_2, %mul3A_3 : i32
    %dma_start3A = tpu.memref_slice %arg3[%mul3A_4] : memref<327680xi32, #tpu.memory_space<hbm>> -> memref<10240xi32, #tpu.memory_space<hbm>>
    %dma_start3A_5 = tpu.memref_slice %arg3[%mul3A_4] : memref<327680xi32, #tpu.memory_space<hbm>> -> memref<10240xi32, #tpu.memory_space<hbm>>
    tpu.enqueue_dma source(%dma_start3A_5 : memref<10240xi32, #tpu.memory_space<hbm>>) target(%arg7 : memref<10240xi32, #tpu.memory_space<vmem>>) target_semaphore(%arg13 : memref<!tpu.dma_semaphore, #tpu.memory_space<semaphore_mem>>)
    %mul3A_6 = arith.constant 640 : i32
    %mul3A_7 = arith.muli %arg1, %mul3A_6 : i32
    "tpu.region"() ({
      %run_scoped3A = tpu.sem_alloc : memref<!tpu.dma_semaphore, #tpu.memory_space<semaphore_mem>>
      %dma_start3A_34 = arith.constant 0 : i32
      %dma_start3A_35 = tpu.memref_slice %arg12[%mul3A_7, %dma_start3A_34] : memref<10240x128xf32, #tpu.memory_space<vmem_shared>> -> memref<640x128xf32, #tpu.memory_space<vmem_shared>>
      tpu.enqueue_dma source(%arg5 : memref<640x128xf32, #tpu.memory_space<hbm>>) target(%dma_start3A_35 : memref<640x128xf32, #tpu.memory_space<vmem_shared>>) target_semaphore(%run_scoped3A : memref<!tpu.dma_semaphore, #tpu.memory_space<semaphore_mem>>)
      %dma_wait3A_36 = arith.constant 0 : i32
      %dma_wait3A_37 = tpu.memref_slice %arg12[%mul3A_7, %dma_wait3A_36] : memref<10240x128xf32, #tpu.memory_space<vmem_shared>> -> memref<640x128xf32, #tpu.memory_space<vmem_shared>>
      tpu.wait_dma2 semaphore(%run_scoped3A : memref<!tpu.dma_semaphore, #tpu.memory_space<semaphore_mem>>) src(%arg5 : memref<640x128xf32, #tpu.memory_space<hbm>>) dst(%dma_wait3A_37 : memref<640x128xf32, #tpu.memory_space<vmem_shared>>)
      tpu.yield
    }) : () -> ()
    %dma_wait3A = tpu.memref_slice %arg3[%mul3A_4] : memref<327680xi32, #tpu.memory_space<hbm>> -> memref<10240xi32, #tpu.memory_space<hbm>>
    %dma_wait3A_8 = tpu.memref_slice %arg3[%mul3A_4] : memref<327680xi32, #tpu.memory_space<hbm>> -> memref<10240xi32, #tpu.memory_space<hbm>>
    tpu.wait_dma2 semaphore(%arg13 : memref<!tpu.dma_semaphore, #tpu.memory_space<semaphore_mem>>) src(%dma_wait3A_8 : memref<10240xi32, #tpu.memory_space<hbm>>) dst(%arg7 : memref<10240xi32, #tpu.memory_space<vmem>>)
    %barrier3A = arith.constant 0 : index
    tpu.barrier barrier_id(%barrier3A)
    %add3A_9 = arith.constant 0 : i32
    %add3A_10 = arith.addi %mul3A_4, %add3A_9 : i32
    %dma_start3A_11 = tpu.memref_slice %arg4[%add3A_10] : memref<327680xi32, #tpu.memory_space<hbm>> -> memref<128xi32, #tpu.memory_space<hbm>>
    %dma_start3A_12 = tpu.memref_slice %arg4[%add3A_10] : memref<327680xi32, #tpu.memory_space<hbm>> -> memref<128xi32, #tpu.memory_space<hbm>>
    tpu.enqueue_dma source(%dma_start3A_12 : memref<128xi32, #tpu.memory_space<hbm>>) target(%arg8 : memref<128xi32, #tpu.memory_space<vmem>>) target_semaphore(%arg16 : memref<!tpu.dma_semaphore, #tpu.memory_space<semaphore_mem>>)
    %add3A_13 = arith.constant 128 : i32
    %add3A_14 = arith.addi %mul3A_4, %add3A_13 : i32
    %dma_start3A_15 = tpu.memref_slice %arg4[%add3A_14] : memref<327680xi32, #tpu.memory_space<hbm>> -> memref<128xi32, #tpu.memory_space<hbm>>
    %dma_start3A_16 = tpu.memref_slice %arg4[%add3A_14] : memref<327680xi32, #tpu.memory_space<hbm>> -> memref<128xi32, #tpu.memory_space<hbm>>
    tpu.enqueue_dma source(%dma_start3A_16 : memref<128xi32, #tpu.memory_space<hbm>>) target(%arg9 : memref<128xi32, #tpu.memory_space<vmem>>) target_semaphore(%arg17 : memref<!tpu.dma_semaphore, #tpu.memory_space<semaphore_mem>>)
    %dma_start3A_17 = arith.constant 0 : i32
    %dma_start3A_18 = tpu.memref_slice %arg7[%dma_start3A_17] : memref<10240xi32, #tpu.memory_space<vmem>> -> memref<128xi32, #tpu.memory_space<vmem>>
    %dma_start3A_19 = arith.constant 0 : i32
    %dma_start3A_20 = arith.constant 0 : i32
    %dma_start3A_21 = tpu.memref_slice %arg2[%dma_start3A_19, %dma_start3A_20] : memref<10240x128xf32, #tpu.memory_space<hbm>> -> memref<10240x128xf32, #tpu.memory_space<hbm>>
    tpu.enqueue_indirect_dma source(%dma_start3A_21 : memref<10240x128xf32, #tpu.memory_space<hbm>>) target(%arg10 : memref<128x128xf32, #tpu.memory_space<vmem>>) offsets(%dma_start3A_18 : memref<128xi32, #tpu.memory_space<vmem>>) semaphore(%arg13 : memref<!tpu.dma_semaphore, #tpu.memory_space<semaphore_mem>>)
    %scan3A = arith.constant 0 : i32
    %scan3A_22 = arith.constant 40 : i32
    %scan3A_23 = arith.addi %scan3A, %scan3A_22 : i32
    %scan3A_24 = arith.constant 1 : i32
    scf.for %scan3A_34 = %scan3A to %scan3A_23 step %scan3A_24  : i32 {
      %mul3A_35 = arith.constant 1 : i32
      %mul3A_36 = arith.muli %scan3A_34, %mul3A_35 : i32
      %add3A_37 = arith.constant 0 : i32
      %add3A_38 = arith.addi %add3A_37, %mul3A_36 : i32
      %mul3A_39 = arith.constant 2 : i32
      %mul3A_40 = arith.muli %mul3A_39, %add3A_38 : i32
      %add3A_41 = arith.constant 1 : i32
      %add3A_42 = arith.addi %mul3A_40, %add3A_41 : i32
      %mul3A_43 = arith.constant 128 : i32
      %mul3A_44 = arith.muli %mul3A_40, %mul3A_43 : i32
      %add3A_45 = arith.addi %mul3A_4, %mul3A_44 : i32
      %dma_wait3A_46 = tpu.memref_slice %arg4[%add3A_45] : memref<327680xi32, #tpu.memory_space<hbm>> -> memref<128xi32, #tpu.memory_space<hbm>>
      %dma_wait3A_47 = tpu.memref_slice %arg4[%add3A_45] : memref<327680xi32, #tpu.memory_space<hbm>> -> memref<128xi32, #tpu.memory_space<hbm>>
      tpu.wait_dma2 semaphore(%arg16 : memref<!tpu.dma_semaphore, #tpu.memory_space<semaphore_mem>>) src(%dma_wait3A_47 : memref<128xi32, #tpu.memory_space<hbm>>) dst(%arg8 : memref<128xi32, #tpu.memory_space<vmem>>)
      %mul3A_48 = arith.constant 128 : i32
      %mul3A_49 = arith.muli %mul3A_40, %mul3A_48 : i32
      %dma_wait3A_50 = tpu.memref_slice %arg7[%mul3A_49] : memref<10240xi32, #tpu.memory_space<vmem>> -> memref<128xi32, #tpu.memory_space<vmem>>
      %dma_wait3A_51 = arith.constant 0 : i32
      %dma_wait3A_52 = arith.constant 0 : i32
      %dma_wait3A_53 = tpu.memref_slice %arg2[%dma_wait3A_51, %dma_wait3A_52] : memref<10240x128xf32, #tpu.memory_space<hbm>> -> memref<10240x128xf32, #tpu.memory_space<hbm>>
      tpu.wait_indirect_dma semaphore(%arg13 : memref<!tpu.dma_semaphore, #tpu.memory_space<semaphore_mem>>) src(%dma_wait3A_53 : memref<10240x128xf32, #tpu.memory_space<hbm>>) dst(%arg10 : memref<128x128xf32, #tpu.memory_space<vmem>>)
      %mul3A_54 = arith.constant 128 : i32
      %mul3A_55 = arith.muli %add3A_42, %mul3A_54 : i32
      %dma_start3A_56 = tpu.memref_slice %arg7[%mul3A_55] : memref<10240xi32, #tpu.memory_space<vmem>> -> memref<128xi32, #tpu.memory_space<vmem>>
      %dma_start3A_57 = arith.constant 0 : i32
      %dma_start3A_58 = arith.constant 0 : i32
      %dma_start3A_59 = tpu.memref_slice %arg2[%dma_start3A_57, %dma_start3A_58] : memref<10240x128xf32, #tpu.memory_space<hbm>> -> memref<10240x128xf32, #tpu.memory_space<hbm>>
      tpu.enqueue_indirect_dma source(%dma_start3A_59 : memref<10240x128xf32, #tpu.memory_space<hbm>>) target(%arg11 : memref<128x128xf32, #tpu.memory_space<vmem>>) offsets(%dma_start3A_56 : memref<128xi32, #tpu.memory_space<vmem>>) semaphore(%arg14 : memref<!tpu.dma_semaphore, #tpu.memory_space<semaphore_mem>>)
      %dma_start3A_60 = arith.constant 0 : i32
      %dma_start3A_61 = arith.constant 0 : i32
      %dma_start3A_62 = tpu.memref_slice %arg12[%dma_start3A_60, %dma_start3A_61] : memref<10240x128xf32, #tpu.memory_space<vmem_shared>> -> memref<10240x128xf32, #tpu.memory_space<vmem_shared>>
      tpu.enqueue_indirect_dma source(%arg10 : memref<128x128xf32, #tpu.memory_space<vmem>>) target(%dma_start3A_62 : memref<10240x128xf32, #tpu.memory_space<vmem_shared>>) offsets(%arg8 : memref<128xi32, #tpu.memory_space<vmem>>) semaphore(%arg15 : memref<!tpu.dma_semaphore, #tpu.memory_space<semaphore_mem>>) {add = true}
      %mul3A_63 = arith.constant 128 : i32
      %mul3A_64 = arith.muli %add3A_42, %mul3A_63 : i32
      %add3A_65 = arith.addi %mul3A_4, %mul3A_64 : i32
      %dma_wait3A_66 = tpu.memref_slice %arg4[%add3A_65] : memref<327680xi32, #tpu.memory_space<hbm>> -> memref<128xi32, #tpu.memory_space<hbm>>
      %dma_wait3A_67 = tpu.memref_slice %arg4[%add3A_65] : memref<327680xi32, #tpu.memory_space<hbm>> -> memref<128xi32, #tpu.memory_space<hbm>>
      tpu.wait_dma2 semaphore(%arg17 : memref<!tpu.dma_semaphore, #tpu.memory_space<semaphore_mem>>) src(%dma_wait3A_67 : memref<128xi32, #tpu.memory_space<hbm>>) dst(%arg9 : memref<128xi32, #tpu.memory_space<vmem>>)
      %mul3A_68 = arith.constant 128 : i32
      %mul3A_69 = arith.muli %add3A_42, %mul3A_68 : i32
      %dma_wait3A_70 = tpu.memref_slice %arg7[%mul3A_69] : memref<10240xi32, #tpu.memory_space<vmem>> -> memref<128xi32, #tpu.memory_space<vmem>>
      %dma_wait3A_71 = arith.constant 0 : i32
      %dma_wait3A_72 = arith.constant 0 : i32
      %dma_wait3A_73 = tpu.memref_slice %arg2[%dma_wait3A_71, %dma_wait3A_72] : memref<10240x128xf32, #tpu.memory_space<hbm>> -> memref<10240x128xf32, #tpu.memory_space<hbm>>
      tpu.wait_indirect_dma semaphore(%arg14 : memref<!tpu.dma_semaphore, #tpu.memory_space<semaphore_mem>>) src(%dma_wait3A_73 : memref<10240x128xf32, #tpu.memory_space<hbm>>) dst(%arg11 : memref<128x128xf32, #tpu.memory_space<vmem>>)
      %dma_wait3A_74 = arith.constant 0 : i32
      %dma_wait3A_75 = arith.constant 0 : i32
      %dma_wait3A_76 = tpu.memref_slice %arg12[%dma_wait3A_74, %dma_wait3A_75] : memref<10240x128xf32, #tpu.memory_space<vmem_shared>> -> memref<10240x128xf32, #tpu.memory_space<vmem_shared>>
      tpu.wait_indirect_dma semaphore(%arg15 : memref<!tpu.dma_semaphore, #tpu.memory_space<semaphore_mem>>) src(%arg10 : memref<128x128xf32, #tpu.memory_space<vmem>>) dst(%dma_wait3A_76 : memref<10240x128xf32, #tpu.memory_space<vmem_shared>>)
      %lt3A = arith.constant 39 : i32
      %lt3A_77 = arith.cmpi slt, %add3A_38, %lt3A : i32
      %convert_element_type3A = arith.extui %lt3A_77 : i1 to i32
      %cond3A = arith.constant 0 : i32
      %cond3A_78 = arith.cmpi ne, %convert_element_type3A, %cond3A : i32
      scf.if %cond3A_78 {
        %add3A_84 = arith.constant 2 : i32
        %add3A_85 = arith.addi %mul3A_40, %add3A_84 : i32
        %mul3A_86 = arith.constant 128 : i32
        %mul3A_87 = arith.muli %add3A_85, %mul3A_86 : i32
        %dma_start3A_88 = tpu.memref_slice %arg7[%mul3A_87] : memref<10240xi32, #tpu.memory_space<vmem>> -> memref<128xi32, #tpu.memory_space<vmem>>
        %dma_start3A_89 = arith.constant 0 : i32
        %dma_start3A_90 = arith.constant 0 : i32
        %dma_start3A_91 = tpu.memref_slice %arg2[%dma_start3A_89, %dma_start3A_90] : memref<10240x128xf32, #tpu.memory_space<hbm>> -> memref<10240x128xf32, #tpu.memory_space<hbm>>
        tpu.enqueue_indirect_dma source(%dma_start3A_91 : memref<10240x128xf32, #tpu.memory_space<hbm>>) target(%arg10 : memref<128x128xf32, #tpu.memory_space<vmem>>) offsets(%dma_start3A_88 : memref<128xi32, #tpu.memory_space<vmem>>) semaphore(%arg13 : memref<!tpu.dma_semaphore, #tpu.memory_space<semaphore_mem>>)
        %add3A_92 = arith.constant 2 : i32
        %add3A_93 = arith.addi %mul3A_40, %add3A_92 : i32
        %mul3A_94 = arith.constant 128 : i32
        %mul3A_95 = arith.muli %add3A_93, %mul3A_94 : i32
        %add3A_96 = arith.addi %mul3A_4, %mul3A_95 : i32
        %dma_start3A_97 = tpu.memref_slice %arg4[%add3A_96] : memref<327680xi32, #tpu.memory_space<hbm>> -> memref<128xi32, #tpu.memory_space<hbm>>
        %dma_start3A_98 = tpu.memref_slice %arg4[%add3A_96] : memref<327680xi32, #tpu.memory_space<hbm>> -> memref<128xi32, #tpu.memory_space<hbm>>
        tpu.enqueue_dma source(%dma_start3A_98 : memref<128xi32, #tpu.memory_space<hbm>>) target(%arg8 : memref<128xi32, #tpu.memory_space<vmem>>) target_semaphore(%arg16 : memref<!tpu.dma_semaphore, #tpu.memory_space<semaphore_mem>>)
      } else {
      }
      "tpu.region"() ({
        %run_scoped3A = tpu.sem_alloc : memref<!tpu.dma_semaphore, #tpu.memory_space<semaphore_mem>>
        %dma_start3A_84 = arith.constant 0 : i32
        %dma_start3A_85 = arith.constant 0 : i32
        %dma_start3A_86 = tpu.memref_slice %arg12[%dma_start3A_84, %dma_start3A_85] : memref<10240x128xf32, #tpu.memory_space<vmem_shared>> -> memref<10240x128xf32, #tpu.memory_space<vmem_shared>>
        tpu.enqueue_indirect_dma source(%arg11 : memref<128x128xf32, #tpu.memory_space<vmem>>) target(%dma_start3A_86 : memref<10240x128xf32, #tpu.memory_space<vmem_shared>>) offsets(%arg9 : memref<128xi32, #tpu.memory_space<vmem>>) semaphore(%run_scoped3A : memref<!tpu.dma_semaphore, #tpu.memory_space<semaphore_mem>>) {add = true}
        %dma_wait3A_87 = arith.constant 0 : i32
        %dma_wait3A_88 = arith.constant 0 : i32
        %dma_wait3A_89 = tpu.memref_slice %arg12[%dma_wait3A_87, %dma_wait3A_88] : memref<10240x128xf32, #tpu.memory_space<vmem_shared>> -> memref<10240x128xf32, #tpu.memory_space<vmem_shared>>
        tpu.wait_indirect_dma semaphore(%run_scoped3A : memref<!tpu.dma_semaphore, #tpu.memory_space<semaphore_mem>>) src(%arg11 : memref<128x128xf32, #tpu.memory_space<vmem>>) dst(%dma_wait3A_89 : memref<10240x128xf32, #tpu.memory_space<vmem_shared>>)
        tpu.yield
      }) : () -> ()
      %lt3A_79 = arith.constant 39 : i32
      %lt3A_80 = arith.cmpi slt, %add3A_38, %lt3A_79 : i32
      %convert_element_type3A_81 = arith.extui %lt3A_80 : i1 to i32
      %cond3A_82 = arith.constant 0 : i32
      %cond3A_83 = arith.cmpi ne, %convert_element_type3A_81, %cond3A_82 : i32
      scf.if %cond3A_83 {
        %add3A_84 = arith.constant 2 : i32
        %add3A_85 = arith.addi %add3A_42, %add3A_84 : i32
        %mul3A_86 = arith.constant 128 : i32
        %mul3A_87 = arith.muli %add3A_85, %mul3A_86 : i32
        %add3A_88 = arith.addi %mul3A_4, %mul3A_87 : i32
        %dma_start3A_89 = tpu.memref_slice %arg4[%add3A_88] : memref<327680xi32, #tpu.memory_space<hbm>> -> memref<128xi32, #tpu.memory_space<hbm>>
        %dma_start3A_90 = tpu.memref_slice %arg4[%add3A_88] : memref<327680xi32, #tpu.memory_space<hbm>> -> memref<128xi32, #tpu.memory_space<hbm>>
        tpu.enqueue_dma source(%dma_start3A_90 : memref<128xi32, #tpu.memory_space<hbm>>) target(%arg9 : memref<128xi32, #tpu.memory_space<vmem>>) target_semaphore(%arg17 : memref<!tpu.dma_semaphore, #tpu.memory_space<semaphore_mem>>)
      } else {
      }
    }
    %scan3A_25 = arith.constant 40 : i32
    %barrier3A_26 = arith.constant 0 : index
    tpu.barrier barrier_id(%barrier3A_26)
    %mul3A_27 = arith.constant 640 : i32
    %mul3A_28 = arith.muli %arg1, %mul3A_27 : i32
    %mul3A_29 = arith.constant 10240 : i32
    %mul3A_30 = arith.muli %arg0, %mul3A_29 : i32
    %mul3A_31 = arith.constant 640 : i32
    %mul3A_32 = arith.muli %arg1, %mul3A_31 : i32
    %add3A_33 = arith.addi %mul3A_30, %mul3A_32 : i32
    "tpu.region"() ({
      %run_scoped3A = tpu.sem_alloc : memref<!tpu.dma_semaphore, #tpu.memory_space<semaphore_mem>>
      %dma_start3A_34 = arith.constant 0 : i32
      %dma_start3A_35 = tpu.memref_slice %arg6[%add3A_33, %dma_start3A_34] : memref<20480x128xf32, #tpu.memory_space<hbm>> -> memref<640x128xf32, #tpu.memory_space<hbm>>
      %dma_start3A_36 = arith.constant 0 : i32
      %dma_start3A_37 = tpu.memref_slice %arg12[%mul3A_28, %dma_start3A_36] : memref<10240x128xf32, #tpu.memory_space<vmem_shared>> -> memref<640x128xf32, #tpu.memory_space<vmem_shared>>
      tpu.enqueue_dma source(%dma_start3A_37 : memref<640x128xf32, #tpu.memory_space<vmem_shared>>) target(%dma_start3A_35 : memref<640x128xf32, #tpu.memory_space<hbm>>) target_semaphore(%run_scoped3A : memref<!tpu.dma_semaphore, #tpu.memory_space<semaphore_mem>>)
      %dma_wait3A_38 = arith.constant 0 : i32
      %dma_wait3A_39 = tpu.memref_slice %arg6[%add3A_33, %dma_wait3A_38] : memref<20480x128xf32, #tpu.memory_space<hbm>> -> memref<640x128xf32, #tpu.memory_space<hbm>>
      %dma_wait3A_40 = arith.constant 0 : i32
      %dma_wait3A_41 = tpu.memref_slice %arg12[%mul3A_28, %dma_wait3A_40] : memref<10240x128xf32, #tpu.memory_space<vmem_shared>> -> memref<640x128xf32, #tpu.memory_space<vmem_shared>>
      tpu.wait_dma2 semaphore(%run_scoped3A : memref<!tpu.dma_semaphore, #tpu.memory_space<semaphore_mem>>) src(%dma_wait3A_41 : memref<640x128xf32, #tpu.memory_space<vmem_shared>>) dst(%dma_wait3A_39 : memref<640x128xf32, #tpu.memory_space<hbm>>)
      tpu.yield
    }) : () -> ()
    return
  }
}

#map = affine_map<(d0, d1) -> (0, 0)>
#map1 = affine_map<(d0, d1) -> (0)>
module attributes {stable_mosaic.version = 14 : i64} {
  func.func @agg_kernel(%arg0: i32, %arg1: i32, %arg2: memref<10240x128xf32, #tpu.memory_space<hbm>>, %arg3: memref<327680xi32, #tpu.memory_space<hbm>>, %arg4: memref<327680xi32, #tpu.memory_space<hbm>>, %arg5: memref<640x128xf32, #tpu.memory_space<hbm>>, %arg6: memref<20480x128xf32, #tpu.memory_space<hbm>>, %arg7: memref<10240xi32, #tpu.memory_space<vmem>>, %arg8: memref<128xi32, #tpu.memory_space<vmem>>, %arg9: memref<128xi32, #tpu.memory_space<vmem>>, %arg10: memref<128x128xf32, #tpu.memory_space<vmem>>, %arg11: memref<128x128xf32, #tpu.memory_space<vmem>>, %arg12: memref<10240x128xf32, #tpu.memory_space<vmem_shared>>, %arg13: memref<!tpu.dma_semaphore, #tpu.memory_space<semaphore_mem>>, %arg14: memref<!tpu.dma_semaphore, #tpu.memory_space<semaphore_mem>>, %arg15: memref<!tpu.dma_semaphore, #tpu.memory_space<semaphore_mem>>, %arg16: memref<!tpu.dma_semaphore, #tpu.memory_space<semaphore_mem>>, %arg17: memref<!tpu.dma_semaphore, #tpu.memory_space<semaphore_mem>>) attributes {dimension_semantics = [#tpu.dimension_semantics<core_parallel>, #tpu.dimension_semantics<subcore_parallel>], iteration_bounds = array<i64: 2, 16>, scalar_prefetch = 0 : i64, scratch_operands = 11 : i64, tpu.core_type = #tpu.core_type<sc_vector_subcore>, window_params = [{transform_indices = #map}, {transform_indices = #map1}, {transform_indices = #map1}, {transform_indices = #map}, {transform_indices = #map}]} {
    %mul3A = arith.constant 16 : i32
    %mul3A_0 = arith.muli %arg0, %mul3A : i32
    %add3A = arith.addi %mul3A_0, %arg1 : i32
    %mul3A_1 = arith.constant 80 : i32
    %mul3A_2 = arith.muli %add3A, %mul3A_1 : i32
    %mul3A_3 = arith.constant 128 : i32
    %mul3A_4 = arith.muli %mul3A_2, %mul3A_3 : i32
    %dma_start3A = tpu.memref_slice %arg3[%mul3A_4] : memref<327680xi32, #tpu.memory_space<hbm>> -> memref<10240xi32, #tpu.memory_space<hbm>>
    %dma_start3A_5 = tpu.memref_slice %arg3[%mul3A_4] : memref<327680xi32, #tpu.memory_space<hbm>> -> memref<10240xi32, #tpu.memory_space<hbm>>
    tpu.enqueue_dma source(%dma_start3A_5 : memref<10240xi32, #tpu.memory_space<hbm>>) target(%arg7 : memref<10240xi32, #tpu.memory_space<vmem>>) target_semaphore(%arg13 : memref<!tpu.dma_semaphore, #tpu.memory_space<semaphore_mem>>)
    %mul3A_6 = arith.constant 640 : i32
    %mul3A_7 = arith.muli %arg1, %mul3A_6 : i32
    "tpu.region"() ({
      %run_scoped3A = tpu.sem_alloc : memref<!tpu.dma_semaphore, #tpu.memory_space<semaphore_mem>>
      %dma_start3A_34 = arith.constant 0 : i32
      %dma_start3A_35 = tpu.memref_slice %arg12[%mul3A_7, %dma_start3A_34] : memref<10240x128xf32, #tpu.memory_space<vmem_shared>> -> memref<640x128xf32, #tpu.memory_space<vmem_shared>>
      tpu.enqueue_dma source(%arg5 : memref<640x128xf32, #tpu.memory_space<hbm>>) target(%dma_start3A_35 : memref<640x128xf32, #tpu.memory_space<vmem_shared>>) target_semaphore(%run_scoped3A : memref<!tpu.dma_semaphore, #tpu.memory_space<semaphore_mem>>)
      %dma_wait3A_36 = arith.constant 0 : i32
      %dma_wait3A_37 = tpu.memref_slice %arg12[%mul3A_7, %dma_wait3A_36] : memref<10240x128xf32, #tpu.memory_space<vmem_shared>> -> memref<640x128xf32, #tpu.memory_space<vmem_shared>>
      tpu.wait_dma2 semaphore(%run_scoped3A : memref<!tpu.dma_semaphore, #tpu.memory_space<semaphore_mem>>) src(%arg5 : memref<640x128xf32, #tpu.memory_space<hbm>>) dst(%dma_wait3A_37 : memref<640x128xf32, #tpu.memory_space<vmem_shared>>)
      tpu.yield
    }) : () -> ()
    %dma_wait3A = tpu.memref_slice %arg3[%mul3A_4] : memref<327680xi32, #tpu.memory_space<hbm>> -> memref<10240xi32, #tpu.memory_space<hbm>>
    %dma_wait3A_8 = tpu.memref_slice %arg3[%mul3A_4] : memref<327680xi32, #tpu.memory_space<hbm>> -> memref<10240xi32, #tpu.memory_space<hbm>>
    tpu.wait_dma2 semaphore(%arg13 : memref<!tpu.dma_semaphore, #tpu.memory_space<semaphore_mem>>) src(%dma_wait3A_8 : memref<10240xi32, #tpu.memory_space<hbm>>) dst(%arg7 : memref<10240xi32, #tpu.memory_space<vmem>>)
    %barrier3A = arith.constant 0 : index
    tpu.barrier barrier_id(%barrier3A)
    %add3A_9 = arith.constant 0 : i32
    %add3A_10 = arith.addi %mul3A_4, %add3A_9 : i32
    %dma_start3A_11 = tpu.memref_slice %arg4[%add3A_10] : memref<327680xi32, #tpu.memory_space<hbm>> -> memref<128xi32, #tpu.memory_space<hbm>>
    %dma_start3A_12 = tpu.memref_slice %arg4[%add3A_10] : memref<327680xi32, #tpu.memory_space<hbm>> -> memref<128xi32, #tpu.memory_space<hbm>>
    tpu.enqueue_dma source(%dma_start3A_12 : memref<128xi32, #tpu.memory_space<hbm>>) target(%arg8 : memref<128xi32, #tpu.memory_space<vmem>>) target_semaphore(%arg16 : memref<!tpu.dma_semaphore, #tpu.memory_space<semaphore_mem>>)
    %add3A_13 = arith.constant 128 : i32
    %add3A_14 = arith.addi %mul3A_4, %add3A_13 : i32
    %dma_start3A_15 = tpu.memref_slice %arg4[%add3A_14] : memref<327680xi32, #tpu.memory_space<hbm>> -> memref<128xi32, #tpu.memory_space<hbm>>
    %dma_start3A_16 = tpu.memref_slice %arg4[%add3A_14] : memref<327680xi32, #tpu.memory_space<hbm>> -> memref<128xi32, #tpu.memory_space<hbm>>
    tpu.enqueue_dma source(%dma_start3A_16 : memref<128xi32, #tpu.memory_space<hbm>>) target(%arg9 : memref<128xi32, #tpu.memory_space<vmem>>) target_semaphore(%arg17 : memref<!tpu.dma_semaphore, #tpu.memory_space<semaphore_mem>>)
    %dma_start3A_17 = arith.constant 0 : i32
    %dma_start3A_18 = tpu.memref_slice %arg7[%dma_start3A_17] : memref<10240xi32, #tpu.memory_space<vmem>> -> memref<128xi32, #tpu.memory_space<vmem>>
    %dma_start3A_19 = arith.constant 0 : i32
    %dma_start3A_20 = arith.constant 0 : i32
    %dma_start3A_21 = tpu.memref_slice %arg2[%dma_start3A_19, %dma_start3A_20] : memref<10240x128xf32, #tpu.memory_space<hbm>> -> memref<10240x128xf32, #tpu.memory_space<hbm>>
    tpu.enqueue_indirect_dma source(%dma_start3A_21 : memref<10240x128xf32, #tpu.memory_space<hbm>>) target(%arg10 : memref<128x128xf32, #tpu.memory_space<vmem>>) offsets(%dma_start3A_18 : memref<128xi32, #tpu.memory_space<vmem>>) semaphore(%arg13 : memref<!tpu.dma_semaphore, #tpu.memory_space<semaphore_mem>>)
    %scan3A = arith.constant 0 : i32
    %scan3A_22 = arith.constant 40 : i32
    %scan3A_23 = arith.addi %scan3A, %scan3A_22 : i32
    %scan3A_24 = arith.constant 1 : i32
    scf.for %scan3A_34 = %scan3A to %scan3A_23 step %scan3A_24  : i32 {
      %mul3A_35 = arith.constant 1 : i32
      %mul3A_36 = arith.muli %scan3A_34, %mul3A_35 : i32
      %add3A_37 = arith.constant 0 : i32
      %add3A_38 = arith.addi %add3A_37, %mul3A_36 : i32
      %mul3A_39 = arith.constant 2 : i32
      %mul3A_40 = arith.muli %mul3A_39, %add3A_38 : i32
      %add3A_41 = arith.constant 1 : i32
      %add3A_42 = arith.addi %mul3A_40, %add3A_41 : i32
      %mul3A_43 = arith.constant 128 : i32
      %mul3A_44 = arith.muli %mul3A_40, %mul3A_43 : i32
      %add3A_45 = arith.addi %mul3A_4, %mul3A_44 : i32
      %dma_wait3A_46 = tpu.memref_slice %arg4[%add3A_45] : memref<327680xi32, #tpu.memory_space<hbm>> -> memref<128xi32, #tpu.memory_space<hbm>>
      %dma_wait3A_47 = tpu.memref_slice %arg4[%add3A_45] : memref<327680xi32, #tpu.memory_space<hbm>> -> memref<128xi32, #tpu.memory_space<hbm>>
      tpu.wait_dma2 semaphore(%arg16 : memref<!tpu.dma_semaphore, #tpu.memory_space<semaphore_mem>>) src(%dma_wait3A_47 : memref<128xi32, #tpu.memory_space<hbm>>) dst(%arg8 : memref<128xi32, #tpu.memory_space<vmem>>)
      %mul3A_48 = arith.constant 128 : i32
      %mul3A_49 = arith.muli %mul3A_40, %mul3A_48 : i32
      %dma_wait3A_50 = tpu.memref_slice %arg7[%mul3A_49] : memref<10240xi32, #tpu.memory_space<vmem>> -> memref<128xi32, #tpu.memory_space<vmem>>
      %dma_wait3A_51 = arith.constant 0 : i32
      %dma_wait3A_52 = arith.constant 0 : i32
      %dma_wait3A_53 = tpu.memref_slice %arg2[%dma_wait3A_51, %dma_wait3A_52] : memref<10240x128xf32, #tpu.memory_space<hbm>> -> memref<10240x128xf32, #tpu.memory_space<hbm>>
      tpu.wait_indirect_dma semaphore(%arg13 : memref<!tpu.dma_semaphore, #tpu.memory_space<semaphore_mem>>) src(%dma_wait3A_53 : memref<10240x128xf32, #tpu.memory_space<hbm>>) dst(%arg10 : memref<128x128xf32, #tpu.memory_space<vmem>>)
      %mul3A_54 = arith.constant 128 : i32
      %mul3A_55 = arith.muli %add3A_42, %mul3A_54 : i32
      %dma_start3A_56 = tpu.memref_slice %arg7[%mul3A_55] : memref<10240xi32, #tpu.memory_space<vmem>> -> memref<128xi32, #tpu.memory_space<vmem>>
      %dma_start3A_57 = arith.constant 0 : i32
      %dma_start3A_58 = arith.constant 0 : i32
      %dma_start3A_59 = tpu.memref_slice %arg2[%dma_start3A_57, %dma_start3A_58] : memref<10240x128xf32, #tpu.memory_space<hbm>> -> memref<10240x128xf32, #tpu.memory_space<hbm>>
      tpu.enqueue_indirect_dma source(%dma_start3A_59 : memref<10240x128xf32, #tpu.memory_space<hbm>>) target(%arg11 : memref<128x128xf32, #tpu.memory_space<vmem>>) offsets(%dma_start3A_56 : memref<128xi32, #tpu.memory_space<vmem>>) semaphore(%arg14 : memref<!tpu.dma_semaphore, #tpu.memory_space<semaphore_mem>>)
      %dma_start3A_60 = arith.constant 0 : i32
      %dma_start3A_61 = arith.constant 0 : i32
      %dma_start3A_62 = tpu.memref_slice %arg12[%dma_start3A_60, %dma_start3A_61] : memref<10240x128xf32, #tpu.memory_space<vmem_shared>> -> memref<10240x128xf32, #tpu.memory_space<vmem_shared>>
      tpu.enqueue_indirect_dma source(%arg10 : memref<128x128xf32, #tpu.memory_space<vmem>>) target(%dma_start3A_62 : memref<10240x128xf32, #tpu.memory_space<vmem_shared>>) offsets(%arg8 : memref<128xi32, #tpu.memory_space<vmem>>) semaphore(%arg15 : memref<!tpu.dma_semaphore, #tpu.memory_space<semaphore_mem>>) {add = true}
      %mul3A_63 = arith.constant 128 : i32
      %mul3A_64 = arith.muli %add3A_42, %mul3A_63 : i32
      %add3A_65 = arith.addi %mul3A_4, %mul3A_64 : i32
      %dma_wait3A_66 = tpu.memref_slice %arg4[%add3A_65] : memref<327680xi32, #tpu.memory_space<hbm>> -> memref<128xi32, #tpu.memory_space<hbm>>
      %dma_wait3A_67 = tpu.memref_slice %arg4[%add3A_65] : memref<327680xi32, #tpu.memory_space<hbm>> -> memref<128xi32, #tpu.memory_space<hbm>>
      tpu.wait_dma2 semaphore(%arg17 : memref<!tpu.dma_semaphore, #tpu.memory_space<semaphore_mem>>) src(%dma_wait3A_67 : memref<128xi32, #tpu.memory_space<hbm>>) dst(%arg9 : memref<128xi32, #tpu.memory_space<vmem>>)
      %mul3A_68 = arith.constant 128 : i32
      %mul3A_69 = arith.muli %add3A_42, %mul3A_68 : i32
      %dma_wait3A_70 = tpu.memref_slice %arg7[%mul3A_69] : memref<10240xi32, #tpu.memory_space<vmem>> -> memref<128xi32, #tpu.memory_space<vmem>>
      %dma_wait3A_71 = arith.constant 0 : i32
      %dma_wait3A_72 = arith.constant 0 : i32
      %dma_wait3A_73 = tpu.memref_slice %arg2[%dma_wait3A_71, %dma_wait3A_72] : memref<10240x128xf32, #tpu.memory_space<hbm>> -> memref<10240x128xf32, #tpu.memory_space<hbm>>
      tpu.wait_indirect_dma semaphore(%arg14 : memref<!tpu.dma_semaphore, #tpu.memory_space<semaphore_mem>>) src(%dma_wait3A_73 : memref<10240x128xf32, #tpu.memory_space<hbm>>) dst(%arg11 : memref<128x128xf32, #tpu.memory_space<vmem>>)
      %dma_wait3A_74 = arith.constant 0 : i32
      %dma_wait3A_75 = arith.constant 0 : i32
      %dma_wait3A_76 = tpu.memref_slice %arg12[%dma_wait3A_74, %dma_wait3A_75] : memref<10240x128xf32, #tpu.memory_space<vmem_shared>> -> memref<10240x128xf32, #tpu.memory_space<vmem_shared>>
      tpu.wait_indirect_dma semaphore(%arg15 : memref<!tpu.dma_semaphore, #tpu.memory_space<semaphore_mem>>) src(%arg10 : memref<128x128xf32, #tpu.memory_space<vmem>>) dst(%dma_wait3A_76 : memref<10240x128xf32, #tpu.memory_space<vmem_shared>>)
      %lt3A = arith.constant 39 : i32
      %lt3A_77 = arith.cmpi slt, %add3A_38, %lt3A : i32
      %convert_element_type3A = arith.extui %lt3A_77 : i1 to i32
      %cond3A = arith.constant 0 : i32
      %cond3A_78 = arith.cmpi ne, %convert_element_type3A, %cond3A : i32
      scf.if %cond3A_78 {
        %add3A_84 = arith.constant 2 : i32
        %add3A_85 = arith.addi %mul3A_40, %add3A_84 : i32
        %mul3A_86 = arith.constant 128 : i32
        %mul3A_87 = arith.muli %add3A_85, %mul3A_86 : i32
        %dma_start3A_88 = tpu.memref_slice %arg7[%mul3A_87] : memref<10240xi32, #tpu.memory_space<vmem>> -> memref<128xi32, #tpu.memory_space<vmem>>
        %dma_start3A_89 = arith.constant 0 : i32
        %dma_start3A_90 = arith.constant 0 : i32
        %dma_start3A_91 = tpu.memref_slice %arg2[%dma_start3A_89, %dma_start3A_90] : memref<10240x128xf32, #tpu.memory_space<hbm>> -> memref<10240x128xf32, #tpu.memory_space<hbm>>
        tpu.enqueue_indirect_dma source(%dma_start3A_91 : memref<10240x128xf32, #tpu.memory_space<hbm>>) target(%arg10 : memref<128x128xf32, #tpu.memory_space<vmem>>) offsets(%dma_start3A_88 : memref<128xi32, #tpu.memory_space<vmem>>) semaphore(%arg13 : memref<!tpu.dma_semaphore, #tpu.memory_space<semaphore_mem>>)
        %add3A_92 = arith.constant 2 : i32
        %add3A_93 = arith.addi %mul3A_40, %add3A_92 : i32
        %mul3A_94 = arith.constant 128 : i32
        %mul3A_95 = arith.muli %add3A_93, %mul3A_94 : i32
        %add3A_96 = arith.addi %mul3A_4, %mul3A_95 : i32
        %dma_start3A_97 = tpu.memref_slice %arg4[%add3A_96] : memref<327680xi32, #tpu.memory_space<hbm>> -> memref<128xi32, #tpu.memory_space<hbm>>
        %dma_start3A_98 = tpu.memref_slice %arg4[%add3A_96] : memref<327680xi32, #tpu.memory_space<hbm>> -> memref<128xi32, #tpu.memory_space<hbm>>
        tpu.enqueue_dma source(%dma_start3A_98 : memref<128xi32, #tpu.memory_space<hbm>>) target(%arg8 : memref<128xi32, #tpu.memory_space<vmem>>) target_semaphore(%arg16 : memref<!tpu.dma_semaphore, #tpu.memory_space<semaphore_mem>>)
      } else {
      }
      "tpu.region"() ({
        %run_scoped3A = tpu.sem_alloc : memref<!tpu.dma_semaphore, #tpu.memory_space<semaphore_mem>>
        %dma_start3A_84 = arith.constant 0 : i32
        %dma_start3A_85 = arith.constant 0 : i32
        %dma_start3A_86 = tpu.memref_slice %arg12[%dma_start3A_84, %dma_start3A_85] : memref<10240x128xf32, #tpu.memory_space<vmem_shared>> -> memref<10240x128xf32, #tpu.memory_space<vmem_shared>>
        tpu.enqueue_indirect_dma source(%arg11 : memref<128x128xf32, #tpu.memory_space<vmem>>) target(%dma_start3A_86 : memref<10240x128xf32, #tpu.memory_space<vmem_shared>>) offsets(%arg9 : memref<128xi32, #tpu.memory_space<vmem>>) semaphore(%run_scoped3A : memref<!tpu.dma_semaphore, #tpu.memory_space<semaphore_mem>>) {add = true}
        %dma_wait3A_87 = arith.constant 0 : i32
        %dma_wait3A_88 = arith.constant 0 : i32
        %dma_wait3A_89 = tpu.memref_slice %arg12[%dma_wait3A_87, %dma_wait3A_88] : memref<10240x128xf32, #tpu.memory_space<vmem_shared>> -> memref<10240x128xf32, #tpu.memory_space<vmem_shared>>
        tpu.wait_indirect_dma semaphore(%run_scoped3A : memref<!tpu.dma_semaphore, #tpu.memory_space<semaphore_mem>>) src(%arg11 : memref<128x128xf32, #tpu.memory_space<vmem>>) dst(%dma_wait3A_89 : memref<10240x128xf32, #tpu.memory_space<vmem_shared>>)
        tpu.yield
      }) : () -> ()
      %lt3A_79 = arith.constant 39 : i32
      %lt3A_80 = arith.cmpi slt, %add3A_38, %lt3A_79 : i32
      %convert_element_type3A_81 = arith.extui %lt3A_80 : i1 to i32
      %cond3A_82 = arith.constant 0 : i32
      %cond3A_83 = arith.cmpi ne, %convert_element_type3A_81, %cond3A_82 : i32
      scf.if %cond3A_83 {
        %add3A_84 = arith.constant 2 : i32
        %add3A_85 = arith.addi %add3A_42, %add3A_84 : i32
        %mul3A_86 = arith.constant 128 : i32
        %mul3A_87 = arith.muli %add3A_85, %mul3A_86 : i32
        %add3A_88 = arith.addi %mul3A_4, %mul3A_87 : i32
        %dma_start3A_89 = tpu.memref_slice %arg4[%add3A_88] : memref<327680xi32, #tpu.memory_space<hbm>> -> memref<128xi32, #tpu.memory_space<hbm>>
        %dma_start3A_90 = tpu.memref_slice %arg4[%add3A_88] : memref<327680xi32, #tpu.memory_space<hbm>> -> memref<128xi32, #tpu.memory_space<hbm>>
        tpu.enqueue_dma source(%dma_start3A_90 : memref<128xi32, #tpu.memory_space<hbm>>) target(%arg9 : memref<128xi32, #tpu.memory_space<vmem>>) target_semaphore(%arg17 : memref<!tpu.dma_semaphore, #tpu.memory_space<semaphore_mem>>)
      } else {
      }
    }
    %scan3A_25 = arith.constant 40 : i32
    %barrier3A_26 = arith.constant 0 : index
    tpu.barrier barrier_id(%barrier3A_26)
    %mul3A_27 = arith.constant 640 : i32
    %mul3A_28 = arith.muli %arg1, %mul3A_27 : i32
    %mul3A_29 = arith.constant 10240 : i32
    %mul3A_30 = arith.muli %arg0, %mul3A_29 : i32
    %mul3A_31 = arith.constant 640 : i32
    %mul3A_32 = arith.muli %arg1, %mul3A_31 : i32
    %add3A_33 = arith.addi %mul3A_30, %mul3A_32 : i32
    "tpu.region"() ({
      %run_scoped3A = tpu.sem_alloc : memref<!tpu.dma_semaphore, #tpu.memory_space<semaphore_mem>>
      %dma_start3A_34 = arith.constant 0 : i32
      %dma_start3A_35 = tpu.memref_slice %arg6[%add3A_33, %dma_start3A_34] : memref<20480x128xf32, #tpu.memory_space<hbm>> -> memref<640x128xf32, #tpu.memory_space<hbm>>
      %dma_start3A_36 = arith.constant 0 : i32
      %dma_start3A_37 = tpu.memref_slice %arg12[%mul3A_28, %dma_start3A_36] : memref<10240x128xf32, #tpu.memory_space<vmem_shared>> -> memref<640x128xf32, #tpu.memory_space<vmem_shared>>
      tpu.enqueue_dma source(%dma_start3A_37 : memref<640x128xf32, #tpu.memory_space<vmem_shared>>) target(%dma_start3A_35 : memref<640x128xf32, #tpu.memory_space<hbm>>) target_semaphore(%run_scoped3A : memref<!tpu.dma_semaphore, #tpu.memory_space<semaphore_mem>>)
      %dma_wait3A_38 = arith.constant 0 : i32
      %dma_wait3A_39 = tpu.memref_slice %arg6[%add3A_33, %dma_wait3A_38] : memref<20480x128xf32, #tpu.memory_space<hbm>> -> memref<640x128xf32, #tpu.memory_space<hbm>>
      %dma_wait3A_40 = arith.constant 0 : i32
      %dma_wait3A_41 = tpu.memref_slice %arg12[%mul3A_28, %dma_wait3A_40] : memref<10240x128xf32, #tpu.memory_space<vmem_shared>> -> memref<640x128xf32, #tpu.memory_space<vmem_shared>>
      tpu.wait_dma2 semaphore(%run_scoped3A : memref<!tpu.dma_semaphore, #tpu.memory_space<semaphore_mem>>) src(%dma_wait3A_41 : memref<640x128xf32, #tpu.memory_space<vmem_shared>>) dst(%dma_wait3A_39 : memref<640x128xf32, #tpu.memory_space<hbm>>)
      tpu.yield
    }) : () -> ()
    return
  }
}

module attributes {stable_mosaic.version = 14 : i64} {
  func.func @body(%arg0: i32, %arg1: memref<64x512xf32, #tpu.memory_space<vmem>>, %arg2: memref<512x128xf32, #tpu.memory_space<vmem>>, %arg3: memref<128x128xf32, #tpu.memory_space<vmem>>, %arg4: memref<512x128xf32, #tpu.memory_space<vmem>>, %arg5: memref<512x128xf32, #tpu.memory_space<vmem>>) attributes {dimension_semantics = [#tpu.dimension_semantics<arbitrary>], iteration_bounds = array<i64: 20>, scalar_prefetch = 0 : i64, scratch_operands = 0 : i64, tpu.core_type = #tpu.core_type<tc>, window_params = [{transform_indices = @transform_0, window_bounds = array<i64: 64, 512>}, {transform_indices = @transform_1, window_bounds = array<i64: 512, 128>}, {pipeline_mode = #tpu.pipeline_mode<synchronous>, transform_indices = @transform_2, window_bounds = array<i64: 128, 128>}, {transform_indices = @transform_3, window_bounds = array<i64: 512, 128>}, {transform_indices = @transform_4, window_bounds = array<i64: 512, 128>}]} {
    %get3A = arith.constant 0 : index
    %get3A_0 = arith.constant 0 : index
    %get3A_1 = vector.load %arg1[%get3A, %get3A_0] : memref<64x512xf32, #tpu.memory_space<vmem>>, vector<64x512xf32>
    %reduce_sum3A = arith.constant dense<0.000000e+00> : vector<512xf32>
    %reduce_sum3A_2 = vector.multi_reduction <add>, %get3A_1, %reduce_sum3A [0] : vector<64x512xf32> to vector<512xf32>
    %broadcast_in_dim3A = vector.shape_cast %reduce_sum3A_2 : vector<512xf32> to vector<512x1xf32>
    %add3A = arith.constant 1.000000e+00 : f32
    %add3A_3 = vector.broadcast %add3A : f32 to vector<512x1xf32>
    %add3A_4 = arith.addf %broadcast_in_dim3A, %add3A_3 : vector<512x1xf32>
    %rsqrt3A = math.rsqrt %add3A_4 : vector<512x1xf32>
    %broadcast_in_dim3A_5 = vector.shape_cast %rsqrt3A : vector<512x1xf32> to vector<512x1xf32>
    %broadcast_in_dim3A_6 = vector.broadcast %broadcast_in_dim3A_5 : vector<512x1xf32> to vector<512x128xf32>
    %swap3A = arith.constant 0 : index
    %swap3A_7 = arith.constant 0 : index
    %swap3A_8 = vector.load %arg4[%swap3A, %swap3A_7] : memref<512x128xf32, #tpu.memory_space<vmem>>, vector<512x128xf32>
    tpu.vector_store %arg4[%swap3A, %swap3A_7], %broadcast_in_dim3A_6 {strides = array<i32>} : memref<512x128xf32, #tpu.memory_space<vmem>>, vector<512x128xf32>,
    %get3A_9 = arith.constant 0 : index
    %get3A_10 = arith.constant 0 : index
    %get3A_11 = vector.load %arg2[%get3A_9, %get3A_10] : memref<512x128xf32, #tpu.memory_space<vmem>>, vector<512x128xf32>
    %get3A_12 = arith.constant 0 : index
    %get3A_13 = arith.constant 0 : index
    %get3A_14 = vector.load %arg3[%get3A_12, %get3A_13] : memref<128x128xf32, #tpu.memory_space<vmem>>, vector<128x128xf32>
    %dot_general3A = arith.constant dense<0.000000e+00> : vector<512x128xf32>
    %dot_general3A_15 = tpu.matmul %get3A_11, %get3A_14, %dot_general3A {dimension_numbers = #tpu.dot_dimension_numbers<[1], [0], [0], [1], [0, 0, 1, 1], [], []>, transpose_lhs_hint = false} : vector<512x128xf32>, vector<128x128xf32>, vector<512x128xf32> -> vector<512x128xf32>
    %mul3A = vector.broadcast %rsqrt3A : vector<512x1xf32> to vector<512x128xf32>
    %mul3A_16 = arith.mulf %mul3A, %dot_general3A_15 : vector<512x128xf32>
    %swap3A_17 = arith.constant 0 : index
    %swap3A_18 = arith.constant 0 : index
    %swap3A_19 = vector.load %arg5[%swap3A_17, %swap3A_18] : memref<512x128xf32, #tpu.memory_space<vmem>>, vector<512x128xf32>
    tpu.vector_store %arg5[%swap3A_17, %swap3A_18], %mul3A_16 {strides = array<i32>} : memref<512x128xf32, #tpu.memory_space<vmem>>, vector<512x128xf32>,
    return
  }
  func.func @transform_0(%arg0: i32) -> (i32, i32) {
    %c0_i32 = arith.constant 0 : i32
    %c0_i32_0 = arith.constant 0 : i32
    return %c0_i32, %arg0 : i32, i32
  }
  func.func @transform_1(%arg0: i32) -> (i32, i32) {
    %c0_i32 = arith.constant 0 : i32
    %c0_i32_0 = arith.constant 0 : i32
    return %arg0, %c0_i32 : i32, i32
  }
  func.func @transform_2(%arg0: i32) -> (i32, i32) {
    %c0_i32 = arith.constant 0 : i32
    %c0_i32_0 = arith.constant 0 : i32
    %c0_i32_1 = arith.constant 0 : i32
    return %c0_i32, %c0_i32_0 : i32, i32
  }
  func.func @transform_3(%arg0: i32) -> (i32, i32) {
    %c0_i32 = arith.constant 0 : i32
    %c0_i32_0 = arith.constant 0 : i32
    return %arg0, %c0_i32 : i32, i32
  }
  func.func @transform_4(%arg0: i32) -> (i32, i32) {
    %c0_i32 = arith.constant 0 : i32
    %c0_i32_0 = arith.constant 0 : i32
    return %arg0, %c0_i32 : i32, i32
  }
}

module attributes {stable_mosaic.version = 14 : i64} {
  func.func @body(%arg0: i32, %arg1: memref<2x512x128xf32, #tpu.memory_space<vmem>>, %arg2: memref<512x128xf32, #tpu.memory_space<vmem>>, %arg3: memref<512x128xf32, #tpu.memory_space<vmem>>, %arg4: memref<1x128xf32, #tpu.memory_space<vmem>>, %arg5: memref<128x128xf32, #tpu.memory_space<vmem>>, %arg6: memref<512x128xf32, #tpu.memory_space<vmem>>, %arg7: memref<512x128xf32, #tpu.memory_space<vmem>>) attributes {dimension_semantics = [#tpu.dimension_semantics<arbitrary>], iteration_bounds = array<i64: 20>, scalar_prefetch = 0 : i64, scratch_operands = 0 : i64, tpu.core_type = #tpu.core_type<tc>, window_params = [{transform_indices = @transform_0, window_bounds = array<i64: 2, 512, 128>}, {transform_indices = @transform_1, window_bounds = array<i64: 512, 128>}, {transform_indices = @transform_2, window_bounds = array<i64: 512, 128>}, {pipeline_mode = #tpu.pipeline_mode<synchronous>, transform_indices = @transform_3, window_bounds = array<i64: 1, 128>}, {pipeline_mode = #tpu.pipeline_mode<synchronous>, transform_indices = @transform_4, window_bounds = array<i64: 128, 128>}, {transform_indices = @transform_5, window_bounds = array<i64: 512, 128>}, {transform_indices = @transform_6, window_bounds = array<i64: 512, 128>}]} {
    %get3A = arith.constant 0 : index
    %get3A_0 = arith.constant 0 : index
    %get3A_1 = arith.constant 0 : index
    %get3A_2 = vector.load %arg1[%get3A, %get3A_0, %get3A_1] : memref<2x512x128xf32, #tpu.memory_space<vmem>>, vector<1x512x128xf32>
    %get3A_3 = vector.shape_cast %get3A_2 : vector<1x512x128xf32> to vector<512x128xf32>
    %get3A_4 = arith.constant 1 : index
    %get3A_5 = arith.constant 0 : index
    %get3A_6 = arith.constant 0 : index
    %get3A_7 = vector.load %arg1[%get3A_4, %get3A_5, %get3A_6] : memref<2x512x128xf32, #tpu.memory_space<vmem>>, vector<1x512x128xf32>
    %get3A_8 = vector.shape_cast %get3A_7 : vector<1x512x128xf32> to vector<512x128xf32>
    %add3A = arith.addf %get3A_3, %get3A_8 : vector<512x128xf32>
    %get3A_9 = arith.constant 0 : index
    %get3A_10 = arith.constant 0 : index
    %get3A_11 = vector.load %arg2[%get3A_9, %get3A_10] : memref<512x128xf32, #tpu.memory_space<vmem>>, vector<512x128xf32>
    %add3A_12 = arith.addf %add3A, %get3A_11 : vector<512x128xf32>
    %get3A_13 = arith.constant 0 : index
    %get3A_14 = arith.constant 0 : index
    %get3A_15 = vector.load %arg3[%get3A_13, %get3A_14] : memref<512x128xf32, #tpu.memory_space<vmem>>, vector<512x128xf32>
    %mul3A = arith.mulf %get3A_15, %add3A_12 : vector<512x128xf32>
    %get3A_16 = arith.constant 0 : index
    %get3A_17 = arith.constant 0 : index
    %get3A_18 = vector.load %arg4[%get3A_16, %get3A_17] : memref<1x128xf32, #tpu.memory_space<vmem>>, vector<1x128xf32>
    %add3A_19 = vector.broadcast %get3A_18 : vector<1x128xf32> to vector<512x128xf32>
    %add3A_20 = arith.addf %mul3A, %add3A_19 : vector<512x128xf32>
    %max3A = arith.constant 0.000000e+00 : f32
    %max3A_21 = vector.broadcast %max3A : f32 to vector<512x128xf32>
    %max3A_22 = arith.maximumf %add3A_20, %max3A_21 : vector<512x128xf32>
    %swap3A = arith.constant 0 : index
    %swap3A_23 = arith.constant 0 : index
    %swap3A_24 = vector.load %arg6[%swap3A, %swap3A_23] : memref<512x128xf32, #tpu.memory_space<vmem>>, vector<512x128xf32>
    tpu.vector_store %arg6[%swap3A, %swap3A_23], %max3A_22 {strides = array<i32>} : memref<512x128xf32, #tpu.memory_space<vmem>>, vector<512x128xf32>,
    %get3A_25 = arith.constant 0 : index
    %get3A_26 = arith.constant 0 : index
    %get3A_27 = vector.load %arg3[%get3A_25, %get3A_26] : memref<512x128xf32, #tpu.memory_space<vmem>>, vector<512x128xf32>
    %get3A_28 = arith.constant 0 : index
    %get3A_29 = arith.constant 0 : index
    %get3A_30 = vector.load %arg5[%get3A_28, %get3A_29] : memref<128x128xf32, #tpu.memory_space<vmem>>, vector<128x128xf32>
    %dot_general3A = arith.constant dense<0.000000e+00> : vector<512x128xf32>
    %dot_general3A_31 = tpu.matmul %max3A_22, %get3A_30, %dot_general3A {dimension_numbers = #tpu.dot_dimension_numbers<[1], [0], [0], [1], [0, 0, 1, 1], [], []>, transpose_lhs_hint = false} : vector<512x128xf32>, vector<128x128xf32>, vector<512x128xf32> -> vector<512x128xf32>
    %mul3A_32 = arith.mulf %get3A_27, %dot_general3A_31 : vector<512x128xf32>
    %swap3A_33 = arith.constant 0 : index
    %swap3A_34 = arith.constant 0 : index
    %swap3A_35 = vector.load %arg7[%swap3A_33, %swap3A_34] : memref<512x128xf32, #tpu.memory_space<vmem>>, vector<512x128xf32>
    tpu.vector_store %arg7[%swap3A_33, %swap3A_34], %mul3A_32 {strides = array<i32>} : memref<512x128xf32, #tpu.memory_space<vmem>>, vector<512x128xf32>,
    return
  }
  func.func @transform_0(%arg0: i32) -> (i32, i32, i32) {
    %c0_i32 = arith.constant 0 : i32
    %c0_i32_0 = arith.constant 0 : i32
    %c0_i32_1 = arith.constant 0 : i32
    return %c0_i32, %arg0, %c0_i32_0 : i32, i32, i32
  }
  func.func @transform_1(%arg0: i32) -> (i32, i32) {
    %c0_i32 = arith.constant 0 : i32
    %c0_i32_0 = arith.constant 0 : i32
    return %arg0, %c0_i32 : i32, i32
  }
  func.func @transform_2(%arg0: i32) -> (i32, i32) {
    %c0_i32 = arith.constant 0 : i32
    %c0_i32_0 = arith.constant 0 : i32
    return %arg0, %c0_i32 : i32, i32
  }
  func.func @transform_3(%arg0: i32) -> (i32, i32) {
    %c0_i32 = arith.constant 0 : i32
    %c0_i32_0 = arith.constant 0 : i32
    %c0_i32_1 = arith.constant 0 : i32
    return %c0_i32, %c0_i32_0 : i32, i32
  }
  func.func @transform_4(%arg0: i32) -> (i32, i32) {
    %c0_i32 = arith.constant 0 : i32
    %c0_i32_0 = arith.constant 0 : i32
    %c0_i32_1 = arith.constant 0 : i32
    return %c0_i32, %c0_i32_0 : i32, i32
  }
  func.func @transform_5(%arg0: i32) -> (i32, i32) {
    %c0_i32 = arith.constant 0 : i32
    %c0_i32_0 = arith.constant 0 : i32
    return %arg0, %c0_i32 : i32, i32
  }
  func.func @transform_6(%arg0: i32) -> (i32, i32) {
    %c0_i32 = arith.constant 0 : i32
    %c0_i32_0 = arith.constant 0 : i32
    return %arg0, %c0_i32 : i32, i32
  }
}

module attributes {stable_mosaic.version = 14 : i64} {
  func.func @body(%arg0: i32, %arg1: memref<2x512x128xf32, #tpu.memory_space<vmem>>, %arg2: memref<512x128xf32, #tpu.memory_space<vmem>>, %arg3: memref<512x128xf32, #tpu.memory_space<vmem>>, %arg4: memref<1x128xf32, #tpu.memory_space<vmem>>, %arg5: memref<128x128xf32, #tpu.memory_space<vmem>>, %arg6: memref<512x128xf32, #tpu.memory_space<vmem>>, %arg7: memref<512x128xf32, #tpu.memory_space<vmem>>) attributes {dimension_semantics = [#tpu.dimension_semantics<arbitrary>], iteration_bounds = array<i64: 20>, scalar_prefetch = 0 : i64, scratch_operands = 0 : i64, tpu.core_type = #tpu.core_type<tc>, window_params = [{transform_indices = @transform_0, window_bounds = array<i64: 2, 512, 128>}, {transform_indices = @transform_1, window_bounds = array<i64: 512, 128>}, {transform_indices = @transform_2, window_bounds = array<i64: 512, 128>}, {pipeline_mode = #tpu.pipeline_mode<synchronous>, transform_indices = @transform_3, window_bounds = array<i64: 1, 128>}, {pipeline_mode = #tpu.pipeline_mode<synchronous>, transform_indices = @transform_4, window_bounds = array<i64: 128, 128>}, {transform_indices = @transform_5, window_bounds = array<i64: 512, 128>}, {transform_indices = @transform_6, window_bounds = array<i64: 512, 128>}]} {
    %get3A = arith.constant 0 : index
    %get3A_0 = arith.constant 0 : index
    %get3A_1 = arith.constant 0 : index
    %get3A_2 = vector.load %arg1[%get3A, %get3A_0, %get3A_1] : memref<2x512x128xf32, #tpu.memory_space<vmem>>, vector<1x512x128xf32>
    %get3A_3 = vector.shape_cast %get3A_2 : vector<1x512x128xf32> to vector<512x128xf32>
    %get3A_4 = arith.constant 1 : index
    %get3A_5 = arith.constant 0 : index
    %get3A_6 = arith.constant 0 : index
    %get3A_7 = vector.load %arg1[%get3A_4, %get3A_5, %get3A_6] : memref<2x512x128xf32, #tpu.memory_space<vmem>>, vector<1x512x128xf32>
    %get3A_8 = vector.shape_cast %get3A_7 : vector<1x512x128xf32> to vector<512x128xf32>
    %add3A = arith.addf %get3A_3, %get3A_8 : vector<512x128xf32>
    %get3A_9 = arith.constant 0 : index
    %get3A_10 = arith.constant 0 : index
    %get3A_11 = vector.load %arg2[%get3A_9, %get3A_10] : memref<512x128xf32, #tpu.memory_space<vmem>>, vector<512x128xf32>
    %add3A_12 = arith.addf %add3A, %get3A_11 : vector<512x128xf32>
    %get3A_13 = arith.constant 0 : index
    %get3A_14 = arith.constant 0 : index
    %get3A_15 = vector.load %arg3[%get3A_13, %get3A_14] : memref<512x128xf32, #tpu.memory_space<vmem>>, vector<512x128xf32>
    %mul3A = arith.mulf %get3A_15, %add3A_12 : vector<512x128xf32>
    %get3A_16 = arith.constant 0 : index
    %get3A_17 = arith.constant 0 : index
    %get3A_18 = vector.load %arg4[%get3A_16, %get3A_17] : memref<1x128xf32, #tpu.memory_space<vmem>>, vector<1x128xf32>
    %add3A_19 = vector.broadcast %get3A_18 : vector<1x128xf32> to vector<512x128xf32>
    %add3A_20 = arith.addf %mul3A, %add3A_19 : vector<512x128xf32>
    %max3A = arith.constant 0.000000e+00 : f32
    %max3A_21 = vector.broadcast %max3A : f32 to vector<512x128xf32>
    %max3A_22 = arith.maximumf %add3A_20, %max3A_21 : vector<512x128xf32>
    %swap3A = arith.constant 0 : index
    %swap3A_23 = arith.constant 0 : index
    %swap3A_24 = vector.load %arg6[%swap3A, %swap3A_23] : memref<512x128xf32, #tpu.memory_space<vmem>>, vector<512x128xf32>
    tpu.vector_store %arg6[%swap3A, %swap3A_23], %max3A_22 {strides = array<i32>} : memref<512x128xf32, #tpu.memory_space<vmem>>, vector<512x128xf32>,
    %get3A_25 = arith.constant 0 : index
    %get3A_26 = arith.constant 0 : index
    %get3A_27 = vector.load %arg3[%get3A_25, %get3A_26] : memref<512x128xf32, #tpu.memory_space<vmem>>, vector<512x128xf32>
    %get3A_28 = arith.constant 0 : index
    %get3A_29 = arith.constant 0 : index
    %get3A_30 = vector.load %arg5[%get3A_28, %get3A_29] : memref<128x128xf32, #tpu.memory_space<vmem>>, vector<128x128xf32>
    %dot_general3A = arith.constant dense<0.000000e+00> : vector<512x128xf32>
    %dot_general3A_31 = tpu.matmul %max3A_22, %get3A_30, %dot_general3A {dimension_numbers = #tpu.dot_dimension_numbers<[1], [0], [0], [1], [0, 0, 1, 1], [], []>, transpose_lhs_hint = false} : vector<512x128xf32>, vector<128x128xf32>, vector<512x128xf32> -> vector<512x128xf32>
    %mul3A_32 = arith.mulf %get3A_27, %dot_general3A_31 : vector<512x128xf32>
    %swap3A_33 = arith.constant 0 : index
    %swap3A_34 = arith.constant 0 : index
    %swap3A_35 = vector.load %arg7[%swap3A_33, %swap3A_34] : memref<512x128xf32, #tpu.memory_space<vmem>>, vector<512x128xf32>
    tpu.vector_store %arg7[%swap3A_33, %swap3A_34], %mul3A_32 {strides = array<i32>} : memref<512x128xf32, #tpu.memory_space<vmem>>, vector<512x128xf32>,
    return
  }
  func.func @transform_0(%arg0: i32) -> (i32, i32, i32) {
    %c0_i32 = arith.constant 0 : i32
    %c0_i32_0 = arith.constant 0 : i32
    %c0_i32_1 = arith.constant 0 : i32
    return %c0_i32, %arg0, %c0_i32_0 : i32, i32, i32
  }
  func.func @transform_1(%arg0: i32) -> (i32, i32) {
    %c0_i32 = arith.constant 0 : i32
    %c0_i32_0 = arith.constant 0 : i32
    return %arg0, %c0_i32 : i32, i32
  }
  func.func @transform_2(%arg0: i32) -> (i32, i32) {
    %c0_i32 = arith.constant 0 : i32
    %c0_i32_0 = arith.constant 0 : i32
    return %arg0, %c0_i32 : i32, i32
  }
  func.func @transform_3(%arg0: i32) -> (i32, i32) {
    %c0_i32 = arith.constant 0 : i32
    %c0_i32_0 = arith.constant 0 : i32
    %c0_i32_1 = arith.constant 0 : i32
    return %c0_i32, %c0_i32_0 : i32, i32
  }
  func.func @transform_4(%arg0: i32) -> (i32, i32) {
    %c0_i32 = arith.constant 0 : i32
    %c0_i32_0 = arith.constant 0 : i32
    %c0_i32_1 = arith.constant 0 : i32
    return %c0_i32, %c0_i32_0 : i32, i32
  }
  func.func @transform_5(%arg0: i32) -> (i32, i32) {
    %c0_i32 = arith.constant 0 : i32
    %c0_i32_0 = arith.constant 0 : i32
    return %arg0, %c0_i32 : i32, i32
  }
  func.func @transform_6(%arg0: i32) -> (i32, i32) {
    %c0_i32 = arith.constant 0 : i32
    %c0_i32_0 = arith.constant 0 : i32
    return %arg0, %c0_i32 : i32, i32
  }
}

module attributes {stable_mosaic.version = 14 : i64} {
  func.func @body(%arg0: i32, %arg1: memref<2x400x128xf32, #tpu.memory_space<vmem>>, %arg2: memref<400x128xf32, #tpu.memory_space<vmem>>, %arg3: memref<400x128xf32, #tpu.memory_space<vmem>>, %arg4: memref<1x128xf32, #tpu.memory_space<vmem>>, %arg5: memref<400x128xf32, #tpu.memory_space<vmem>>, %arg6: memref<400x128xf32, #tpu.memory_space<vmem>>) attributes {dimension_semantics = [#tpu.dimension_semantics<arbitrary>], iteration_bounds = array<i64: 25>, scalar_prefetch = 0 : i64, scratch_operands = 0 : i64, tpu.core_type = #tpu.core_type<tc>, window_params = [{transform_indices = @transform_0, window_bounds = array<i64: 2, 400, 128>}, {transform_indices = @transform_1, window_bounds = array<i64: 400, 128>}, {transform_indices = @transform_2, window_bounds = array<i64: 400, 128>}, {pipeline_mode = #tpu.pipeline_mode<synchronous>, transform_indices = @transform_3, window_bounds = array<i64: 1, 128>}, {transform_indices = @transform_4, window_bounds = array<i64: 400, 128>}, {transform_indices = @transform_5, window_bounds = array<i64: 400, 128>}]} {
    %get3A = arith.constant 0 : index
    %get3A_0 = arith.constant 0 : index
    %get3A_1 = arith.constant 0 : index
    %get3A_2 = vector.load %arg1[%get3A, %get3A_0, %get3A_1] : memref<2x400x128xf32, #tpu.memory_space<vmem>>, vector<1x400x128xf32>
    %get3A_3 = vector.shape_cast %get3A_2 : vector<1x400x128xf32> to vector<400x128xf32>
    %get3A_4 = arith.constant 1 : index
    %get3A_5 = arith.constant 0 : index
    %get3A_6 = arith.constant 0 : index
    %get3A_7 = vector.load %arg1[%get3A_4, %get3A_5, %get3A_6] : memref<2x400x128xf32, #tpu.memory_space<vmem>>, vector<1x400x128xf32>
    %get3A_8 = vector.shape_cast %get3A_7 : vector<1x400x128xf32> to vector<400x128xf32>
    %add3A = arith.addf %get3A_3, %get3A_8 : vector<400x128xf32>
    %get3A_9 = arith.constant 0 : index
    %get3A_10 = arith.constant 0 : index
    %get3A_11 = vector.load %arg2[%get3A_9, %get3A_10] : memref<400x128xf32, #tpu.memory_space<vmem>>, vector<400x128xf32>
    %add3A_12 = arith.addf %add3A, %get3A_11 : vector<400x128xf32>
    %get3A_13 = arith.constant 0 : index
    %get3A_14 = arith.constant 0 : index
    %get3A_15 = vector.load %arg3[%get3A_13, %get3A_14] : memref<400x128xf32, #tpu.memory_space<vmem>>, vector<400x128xf32>
    %mul3A = arith.mulf %get3A_15, %add3A_12 : vector<400x128xf32>
    %get3A_16 = arith.constant 0 : index
    %get3A_17 = arith.constant 0 : index
    %get3A_18 = vector.load %arg4[%get3A_16, %get3A_17] : memref<1x128xf32, #tpu.memory_space<vmem>>, vector<1x128xf32>
    %add3A_19 = vector.broadcast %get3A_18 : vector<1x128xf32> to vector<400x128xf32>
    %add3A_20 = arith.addf %mul3A, %add3A_19 : vector<400x128xf32>
    %get3A_21 = arith.constant 0 : index
    %get3A_22 = arith.constant 0 : index
    %get3A_23 = vector.load %arg5[%get3A_21, %get3A_22] : memref<400x128xf32, #tpu.memory_space<vmem>>, vector<400x128xf32>
    %add3A_24 = arith.addf %add3A_20, %get3A_23 : vector<400x128xf32>
    %max3A = arith.constant 0.000000e+00 : f32
    %max3A_25 = vector.broadcast %max3A : f32 to vector<400x128xf32>
    %max3A_26 = arith.maximumf %add3A_24, %max3A_25 : vector<400x128xf32>
    %swap3A = arith.constant 0 : index
    %swap3A_27 = arith.constant 0 : index
    %swap3A_28 = vector.load %arg6[%swap3A, %swap3A_27] : memref<400x128xf32, #tpu.memory_space<vmem>>, vector<400x128xf32>
    tpu.vector_store %arg6[%swap3A, %swap3A_27], %max3A_26 {strides = array<i32>} : memref<400x128xf32, #tpu.memory_space<vmem>>, vector<400x128xf32>,
    return
  }
  func.func @transform_0(%arg0: i32) -> (i32, i32, i32) {
    %c0_i32 = arith.constant 0 : i32
    %c0_i32_0 = arith.constant 0 : i32
    %c0_i32_1 = arith.constant 0 : i32
    return %c0_i32, %arg0, %c0_i32_0 : i32, i32, i32
  }
  func.func @transform_1(%arg0: i32) -> (i32, i32) {
    %c0_i32 = arith.constant 0 : i32
    %c0_i32_0 = arith.constant 0 : i32
    return %arg0, %c0_i32 : i32, i32
  }
  func.func @transform_2(%arg0: i32) -> (i32, i32) {
    %c0_i32 = arith.constant 0 : i32
    %c0_i32_0 = arith.constant 0 : i32
    return %arg0, %c0_i32 : i32, i32
  }
  func.func @transform_3(%arg0: i32) -> (i32, i32) {
    %c0_i32 = arith.constant 0 : i32
    %c0_i32_0 = arith.constant 0 : i32
    %c0_i32_1 = arith.constant 0 : i32
    return %c0_i32, %c0_i32_0 : i32, i32
  }
  func.func @transform_4(%arg0: i32) -> (i32, i32) {
    %c0_i32 = arith.constant 0 : i32
    %c0_i32_0 = arith.constant 0 : i32
    return %arg0, %c0_i32 : i32, i32
  }
  func.func @transform_5(%arg0: i32) -> (i32, i32) {
    %c0_i32 = arith.constant 0 : i32
    %c0_i32_0 = arith.constant 0 : i32
    return %arg0, %c0_i32 : i32, i32
  }
}

</mosaic_0001>

<sc_bundles>
// kernel: kernel.10.cloned.1.call-start
scs
__scs_entry_jumppad:
0x0: {  	(pc) =	sbr.rel $0x88, $3  }
0x1: {  	(tag) =	ssettag $0x0;
	lr =	simm.s32 $0x1  }
0x2: {  	[smem:$0x3F99] =	sst lr;
	_ =	strace $0xD0000000  }
0x3: {  	_ = 	snop  }
0x4: {  	_ = 	snop  }
0x5: {  	_ = 	snop  }
0x6: {  	_ = 	snop  }
0x7: {  	_ = 	snop  }
__scs_overlays_trampoline_lowered:
0x8: {  	[smem:$0x3FA8] =	sst s0  }
0x9: {  	[smem:$0x3FA9] =	sst s1  }
0xa: {  	[smem:$0x3FAA] =	sst s2  }
0xb: {  	[smem:$0x3FAB] =	sst s3  }
0xc: {  	[smem:$0x3FAC] =	sst s4  }
0xd: {  	[smem:$0x3FAD] =	sst s5  }
0xe: {  	[smem:$0x3FAE] =	sst s6  }
0xf: {  	[smem:$0x3FAF] =	sst s7  }
0x10: {  	[smem:$0x3FB0] =	sst s8  }
0x11: {  	[smem:$0x3FB1] =	sst s9;
	s0 =	simm.s32 @!p0 $0x0  }
0x12: {  	s1 =	sld [smem:$0x3F97];
	s0 =	simm.s32 @p0 $0x1  }
0x13: {  	[smem:$0x3FB2] =	sst s0;
	s0 =	simm.s32 @!p1 $0x0  }
0x14: {  	s2 =	sld [smem:$0x3F96];
	s0 =	simm.s32 @p1 $0x1  }
0x15: {  	[smem:$0x3FB3] =	sst s0;
	s0 =	simm.s32 @!p2 $0x0  }
0x16: {  	s3 =	sld [smem:$0x3FDB];
	s0 =	simm.s32 @p2 $0x1  }
0x17: {  	s4 =	simm.s32 $0x1BF5;
	[smem:$0x3FB5] =	sst s0  }
0x18: {  	s0 =	sld [smem:$0x3F98];
	_ =	swait.ge [sflag:s4], $0x0  }
0x19: {  	s7 =	sld [smem:$0x3F99]  }
0x1a: {  	s8 =	sadd.s32 $0xFFFFE003, lr  }
0x1b: {  	s9 =	sadd.s32 $0xFFFFFEF7, lr;
	s5 =	simm.s32 $0xFFFFFFFF;
	p2 =	slt.u32 s8, $0xFFFFF086  }
0x1c: {  	p1 =	slt.u32 s9, $0xF7A;
	s5 =	simm.s32 @!p2 $0x0  }
0x1d: {  	s5 =	simm.s32 @p1 $0x1;
	p0 =	seq.s32 s7, s2  }
0x1e: {  	s7 =	smul.u32 @!p0 $0xF7A, s2;
	p2 =	seq.s32 @!p0 s5, $0x0  }
0x1f: {  	s9 =	smul.u32 $0xF7A, s1;
	s8 =	simm.s32 @!p0 $0x1BF5;
	p2 =	por !p2, p0  }
0x20: {  	[sflag:s8] =	ssyncset.s32 @!p0 $0xFFFFF086;
	s6 =	sadd.s32 @!p0 s3, s7;
	s7 =	simm.s32 @!p0 $0x108  }
0x21: {  	s3 =	sadd.s32 s3, s9;
	s6 =	sadd.s32 @!p0 $0x88, s6;
	s7 =	simm.s32 @p2 $0x1082  }
0x22: {  	[simem:s7], [sflag:s8] =	dma.local @!p0 [hbm:s6], $0xF7A  }
0x23: {  	s9 =	sor.u32 $0xD0000000, s2;
	s6 =	simm.s32 $0x108;
	_ =	swait.ge @!p0 [sflag:s8], $0x0  }
0x24: {  	s3 =	sadd.s32 $0x88, s3;
	s6 =	simm.s32 @!p1 $0x1082;
	[sflag:s4] =	ssyncset.s32 $0xFFFFF086  }
0x25: {  	[simem:s6], [sflag:s4] =	dma.local [hbm:s3], $0xF7A  }
0x26: {  	[smem:$0x3F99] =	sst s1;
	(tag) =	ssettag s2;
	_ =	strace s9  }
0x27: {  	s1 =	sld [smem:$0x3FA9]  }
0x28: {  	s2 =	sld [smem:$0x3FAA]  }
0x29: {  	s4 =	sld [smem:$0x3FAC]  }
0x2a: {  	p0 =	seq.s32 s5, $0x0;
	s5 =	sld [smem:$0x3FAD]  }
0x2b: {  	s6 =	sld [smem:$0x3FAE]  }
0x2c: {  	s7 =	sld [smem:$0x3FAF]  }
0x2d: {  	s3 =	simm.s32 $0x108;
	s8 =	sld [smem:$0x3FB0]  }
0x2e: {  	s3 =	simm.s32 @!p0 $0x1082;
	s9 =	sld [smem:$0x3FB1]  }
0x2f: {  	lr =	sadd.s32 s0, s3;
	s0 =	sld [smem:$0x3FA8]  }
0x30: {  	s3 =	sld [smem:$0x3FAB]  }
0x31: {  	[smem:$0x3FB4] =	sst s10  }
0x32: {  	s10 =	sld [smem:$0x3FB2];
	_ =	sdelay $0x3  }
0x33: {  	p0 =	seq.s32 s10, $0x1;
	s10 =	sld [smem:$0x3FB4];
	_ =	sdelay $0x3  }
0x34: {  	[smem:$0x3FB4] =	sst s10  }
0x35: {  	s10 =	sld [smem:$0x3FB3];
	_ =	sdelay $0x3  }
0x36: {  	p1 =	seq.s32 s10, $0x1;
	s10 =	sld [smem:$0x3FB4];
	_ =	sdelay $0x3  }
0x37: {  	[smem:$0x3FB4] =	sst s10  }
0x38: {  	s10 =	sld [smem:$0x3FB5]  }
0x39: {  	_ = 	snop;
	(pc) =	sbr.ind lr, $3  }
0x3a: {  	_ = 	snop  }
0x3b: {  	_ = 	snop  }
0x3c: {  	p2 =	seq.s32 s10, $0x1;
	s10 =	sld [smem:$0x3FB4]  }
0x3d: {  	_ =	shalt  }
0x3e: {  	_ =	shalt  }
0x3f: {  	_ =	shalt  }
0x40: {  	_ =	shalt  }
0x41: {  	_ =	shalt  }
0x42: {  	_ =	shalt  }
0x43: {  	_ =	shalt  }
0x44: {  	_ =	shalt  }
0x45: {  	_ =	shalt  }
0x46: {  	_ =	shalt  }
0x47: {  	_ =	shalt  }
0x48: {  	_ =	shalt  }
0x49: {  	_ =	shalt  }
0x4a: {  	_ =	shalt  }
0x4b: {  	_ =	shalt  }
0x4c: {  	_ =	shalt  }
0x4d: {  	_ =	shalt  }
0x4e: {  	_ =	shalt  }
0x4f: {  	_ =	shalt  }
0x50: {  	_ =	shalt  }
0x51: {  	_ =	shalt  }
0x52: {  	_ =	shalt  }
0x53: {  	_ =	shalt  }
0x54: {  	_ =	shalt  }
0x55: {  	_ =	shalt  }
0x56: {  	_ =	shalt  }
0x57: {  	_ =	shalt  }
0x58: {  	_ =	shalt  }
0x59: {  	_ =	shalt  }
0x5a: {  	_ =	shalt  }
0x5b: {  	_ =	shalt  }
0x5c: {  	_ =	shalt  }
0x5d: {  	_ =	shalt  }
0x5e: {  	_ =	shalt  }
0x5f: {  	_ =	shalt  }
0x60: {  	_ =	shalt  }
0x61: {  	_ =	shalt  }
0x62: {  	_ =	shalt  }
0x63: {  	_ =	shalt  }
0x64: {  	_ =	shalt  }
0x65: {  	_ =	shalt  }
0x66: {  	_ =	shalt  }
0x67: {  	_ =	shalt  }
0x68: {  	_ =	shalt  }
0x69: {  	_ =	shalt  }
0x6a: {  	_ =	shalt  }
0x6b: {  	_ =	shalt  }
0x6c: {  	_ =	shalt  }
0x6d: {  	_ =	shalt  }
0x6e: {  	_ =	shalt  }
0x6f: {  	_ =	shalt  }
0x70: {  	_ =	shalt  }
0x71: {  	_ =	shalt  }
0x72: {  	_ =	shalt  }
0x73: {  	_ =	shalt  }
0x74: {  	_ =	shalt  }
0x75: {  	_ =	shalt  }
0x76: {  	_ =	shalt  }
0x77: {  	_ =	shalt  }
0x78: {  	_ =	shalt  }
0x79: {  	_ =	shalt  }
0x7a: {  	_ =	shalt  }
0x7b: {  	_ =	shalt  }
0x7c: {  	_ =	shalt  }
0x7d: {  	_ =	shalt  }
0x7e: {  	_ =	shalt  }
0x7f: {  	_ =	shalt  }
0x80: {  	_ =	shalt  }
0x81: {  	_ =	shalt  }
0x82: {  	_ =	shalt  }
0x83: {  	_ =	shalt  }
0x84: {  	_ =	shalt  }
0x85: {  	_ =	shalt  }
0x86: {  	_ =	shalt  }
0x87: {  	_ =	shalt  }
.Lfunc_end0:
.L_simem_size_0:
called_computation_lowered:
.L_overlay_start_0:
0x88: {  	s2 =	sld [smem:$0x3FD9]  }
0x89: {  	s3 =	sld [smem:$0x3FFE];
	_ =	sdelay $0x1  }
0x8a: {  	s1 =	srdreg.scid  }
0x8b: {  	s0 =	sand.u32 $0x1, s1  }
0x8c: {  	s17 =	sshll.u32 s0, $0xA;
	s2 =	sadd.s32 s3, s2  }
0x8d: {  	s2 =	sadd.s32 s2, s17  }
0x8e: {  	[smem:$0x3FC0] =	sst s2  }
0x8f: {  	_ = 	snop  }
0x90: {  	s2 =	sld [smem:$0x3FD0];
	(tm) =	ssettm $0x1  }
0x91: {  	s18 =	sld [smem:$0x3FFB];
	_ =	sdelay $0x3  }
0x92: {  	_ =	strace s18  }
0x93: {  	s3 =	sld [smem:$0x3FFC];
	_ =	sdelay $0x3  }
0x94: {  	_ =	strace s3  }
0x95: {  	s3 =	sld [smem:$0x3FFD];
	_ =	sdelay $0x3  }
0x96: {  	_ =	strace s3  }
0x97: {  	_ =	strace $0x8FFFFFFF  }
0x98: {  	s19 =	sld [smem:$0x3FDB];
	_ =	sdelay $0x1  }
0x99: {  	s4 =	simm.s32 $_scs_section_size  }
0x9a: {  	s5 =	simm.s32 $_size__tile_overlayer_lowered;
	s6 =	simm.s32 $_tile_overlayer_lowered  }
0x9b: {  	s22 =	simm.s32 $0x1BFF;
	s21 =	sshll.u32 s6, $0x1;
	s3 =	sadd.s32 s4, s19  }
0x9c: {  	s7 =	simm.s32 $0x0;
	s20 =	sshll.u32 s5, $0x1;
	s5 =	sadd.s32 s21, s3  }
0x9d: {  	[timem:s7], [sflag:s22] =	dma.local [hbm:s5], s20  }
0x9e: {  	_ =	swait.ge [sflag:s22], s20  }
0x9f: {  	s4 =	ssub.s32 $0x0, s20;
	[sflag:s22] =	ssyncset.done $0x0  }
0xa0: {  	[sflag:s22] =	ssyncadd.s32 s4;
	_ =	sdelay $0x1  }
0xa1: {  	s23 =	simm.s32 $0x1B8B  }
0xa2: {  	_ =	swait.ge [sflag:s23], $0x1  }
0xa3: {  	[sflag:s23] =	ssyncset.done $0x0  }
0xa4: {  	s25 =	simm.s32 $0x1B8E;
	s24 =	sld [smem:$0x3FFE];
	[sflag:s23] =	ssyncadd.s32 $0xFFFFFFFF  }
0xa5: {  	s26 =	simm.s32 $execute0_lowered;
	[smem:$0x3FD2] =	sst s25  }
0xa6: {  	s5 =	sshll.u32 s26, $0x1;
	_ =	strace $0x80000046;
	[dreg:$0x1] =	wrdreg $0xFFFFFFFF  }
0xa7: {  	s28 =	simm.s32 $_size_execute0_lowered;
	s3 =	sadd.s32 s3, s5;
	[dreg:$0x0] =	wrdreg $0x0  }
0xa8: {  	s5 =	sshll.u32 s28, $0x1;
	[dreg:$0x2] =	wrdreg s3  }
0xa9: {  	[dreg:$0x3] =	wrdreg s5  }
0xaa: {  	[dreg:$0x4] =	wrdreg $0xC0  }
0xab: {  	_ =	task [dreg:s7], $0x5FFFF  }
0xac: {  	[dreg:$0x1] =	wrdreg $0xFFFFFFFF  }
0xad: {  	[dreg:$0x0] =	wrdreg $0x60  }
0xae: {  	[dreg:$0x2] =	wrdreg s24  }
0xaf: {  	[dreg:$0x3] =	wrdreg s2  }
0xb0: {  	[dreg:$0x4] =	wrdreg $0x9  }
0xb1: {  	_ =	task.clear_ibuf [dreg:s7], $0x5FFFF;
	_ =	strace $0x90000046  }
0xb2: {  	s29 =	simm.s32 $0x9;
	_ =	strace $0x80000048  }
0xb3: {  	_ =	swait.ge [sflag:s29], $0x1  }
0xb4: {  	[sflag:s29] =	ssyncadd.s32 $0xFFFFFFFF  }
0xb5: {  	_ =	strace $0x90000048  }
0xb6: {  	_ =	sfence  }
0xb7: {  	s30 =	sld [smem:$0x0];
	_ =	sdelay $0x2  }
0xb8: {  	s31 =	sshll.u32 s1, $0xD;
	s1 =	sshrl.u32 s1, $0x2  }
0xb9: {  	s3 =	sand.u32 $0x4000, s31;
	s1 =	sadd.s32 s1, s30  }
0xba: {  	s0 =	sor.u32 s3, s0;
	s1 =	sshll.u32 s1, $0x11  }
0xbb: {  	s0 =	sor.u32 s1, s0  }
0xbc: {  	s0 =	sadd.s32 $0x8F2B, s0  }
0xbd: {  	[sflag:s0] =	ssyncadd.remote.s32 $0x1  }
0xbe: {  	_ =	sfence.sel $0xFFFF  }
0xbf: {  	[dreg:$0x0] =	wrdreg $0xFFFFFFFF;
	(pc) =	sbr.abs _section_cstart, $3  }
0xc0: {  	[dreg:$0x1] =	wrdreg $0xFFFFFFFF  }
0xc1: {  	_ =	task.clear_ibuf [dreg:s7], $0x2FFFF;
	_ =	strace $0x9FFFFFFF  }
0xc2: {  	(tm) =	ssettm $0x7FFFFFFF  }
0xc3: {  	_ =	shalt  }
tec
execute0_lowered:
.L_overlay_start_1:
0x0: {  	(tag) =	ssettag $0x1  }
0x1: {  	s3 =	rddreg [dreg:$0x0]  }
0x2: {  	s0 =	srdreg.scid;
	s6 =	rddreg [dreg:$0x1]  }
0x3: {  	s1 =	stileid.u32;
	s2 =	simm.s32 $0x0;
	s11 =	simm.s32 $0x1  }
0x4: {  	s12 =	simm.s32 $0x80;
	s13 =	simm.s32 $0x400;
	s4 =	sand.u32 $0x1, s0  }
0x5: {  	s14 =	simm.s32 $0x0;
	s0 =	rddreg [dreg:$0x2];
	s5 =	sshll.u32 s4, $0x4  }
0x6: {  	[smem:$0x7FF] =	sst s2;
	s8 =	sshll.u32 s1, $0x7;
	s5 =	sor.u32 s1, s5  }
0x7: {  	s4 =	ssub.s32 $0x2, s4;
	s7 =	smul.u32 $0x500, s5;
	s5 =	sshrl.u32 s5, $0x3  }
0x8: {  	_ =	strace $0x80000047;
	s9 =	sshrl.u32 s4, $0x1;
	s5 =	smul.u32 $0x14000, s5  }
0x9: {  	s8 =	sand.u32 $0x380, s8;
	s29 =	ssub.s32 s4, s9;
	s9 =	simm.s32 $0x2  }
0xa: {  	s7 =	sadd.s32 s7, s3;
	s3 =	sadd.s32 $0x18400, s3;
	s5 =	sor.u32 s8, s5  }
0xb: {  	s4 =	sadd.s32 $0xE400, s7;
	s7 =	smax.u32 s29, $0x1;
	s10 =	sadd.s32 $0x50000, s5  }
0xc: {  	s8 =	simm.s32 $0x2800;
	s30 =	sshrl.u32 s5, $0x3;
	s31 =	sshrl.u32 s10, $0x3  }
0xd: {  	v0 =	vimm.f32 $1.000000000e+00;
	s5 =	sadd.s32 s6, s30;
	s10 =	simm.s32 $0x5000;
	s6 =	sadd.s32 s6, s31  }
.LBB2_1:
0xe: {  	[tilespmem:s2], [sflag:$0x1] =	stream.linear.gather [hbm4b:s4+s2], $0x2800, $0x38;
	[tilespmem:$0x7800] =	vst v63  }
0xf: {  	_ = 	snop  }
0x10: {  	[tilespmem:s8], [sflag:$0x2] =	stream.linear.gather [hbm4b:s3+s2], $0x2800, $0x38;
	[tilespmem:$0x7800] =	vst v63  }
0x11: {  	_ =	swait.ge [sflag:s9], $0x2800  }
0x12: {  	[sflag:s9] =	ssyncset.done $0x0  }
0x13: {  	[sflag:s9] =	ssyncadd.s32 $0xFFFFD800  }
0x14: {  	[tilespmem:s10], [sflag:$0x2] =	stream.linear.gather [hbm4b:s3+s2], $0x2800, $0x38;
	[tilespmem:$0x7800] =	vst v63  }
0x15: {  	_ =	swait.ge [sflag:s9], $0x2800  }
0x16: {  	[sflag:s9] =	ssyncset.done $0x0  }
0x17: {  	[sflag:s9] =	ssyncadd.s32 $0xFFFFD800  }
0x18: {  	_ =	swait.ge [sflag:s11], $0x2800  }
0x19: {  	[sflag:s11] =	ssyncset.done $0x0  }
0x1a: {  	s15 =	simm.s32 $0x0;
	[sflag:s11] =	ssyncadd.s32 $0xFFFFD800  }
.LBB2_2:
0x1b: {  	s16 =	sshra.s32 s15, $0x2  }
0x1c: {  	v1 =	vld [tilespmem:s16+$0x0];
	_ =	sdelay $0x7  }
0x1d: {  	[tilespmem:v1+s8+$0x0] =	vst.idx.add.f32.msk $0xffff, v0  }
0x1e: {  	v1 =	vld [tilespmem:s16+$0x10];
	_ =	sdelay $0x7  }
0x1f: {  	[tilespmem:v1+s10+$0x0] =	vst.idx.add.f32.msk $0xffff, v0  }
0x20: {  	v1 =	vld [tilespmem:s16+$0x20];
	_ =	sdelay $0x7  }
0x21: {  	[tilespmem:v1+s8+$0x0] =	vst.idx.add.f32.msk $0xffff, v0  }
0x22: {  	v1 =	vld [tilespmem:s16+$0x30];
	_ =	sdelay $0x7  }
0x23: {  	[tilespmem:v1+s10+$0x0] =	vst.idx.add.f32.msk $0xffff, v0  }
0x24: {  	v1 =	vld [tilespmem:s16+$0x40];
	_ =	sdelay $0x7  }
0x25: {  	[tilespmem:v1+s8+$0x0] =	vst.idx.add.f32.msk $0xffff, v0  }
0x26: {  	v1 =	vld [tilespmem:s16+$0x50];
	_ =	sdelay $0x7  }
0x27: {  	[tilespmem:v1+s10+$0x0] =	vst.idx.add.f32.msk $0xffff, v0  }
0x28: {  	v1 =	vld [tilespmem:s16+$0x60];
	_ =	sdelay $0x7  }
0x29: {  	[tilespmem:v1+s8+$0x0] =	vst.idx.add.f32.msk $0xffff, v0  }
0x2a: {  	v1 =	vld [tilespmem:s16+$0x70];
	_ =	sdelay $0x2  }
0x2b: {  	p0 =	sne.s32 s15, $0x9E00  }
.Ltmp0:
0x2c: {  	_ = 	snop;
	(pc) =	sbr.rel @p0 .LBB2_2-.Ltmp0, $2  }
0x2d: {  	_ =	sdelay $0x2  }
0x2e: {  	s15 =	sadd.s32 $0x200, s15;
	[tilespmem:v1+s10+$0x0] =	vst.idx.add.f32.msk $0xffff, v0  }
0x2f: {  	[hbm4b:s5+s12] =	stream.strided.scatter [tilespmem:s8], [sflag:$0x2], $0x2800, s13, s12, $0x38;
	[tilespmem:$0x7800] =	vst v63  }
0x30: {  	s14 =	sadd.s32 $0x1, s14;
	_ =	swait.ge [sflag:s9], $0x2800  }
0x31: {  	p0 =	sne.s32 s14, s7;
	[sflag:s9] =	ssyncset.done $0x0  }
.Ltmp1:
0x32: {  	[sflag:s9] =	ssyncadd.s32 $0xFFFFD800;
	(pc) =	sbr.rel @p0 .LBB2_1-.Ltmp1, $4  }
0x33: {  	[hbm4b:s6+s12] =	stream.strided.scatter [tilespmem:s10], [sflag:$0x2], $0x2800, s13, s12, $0x38;
	[tilespmem:$0x7800] =	vst v63  }
0x34: {  	_ =	swait.ge [sflag:s9], $0x2800  }
0x35: {  	[sflag:s9] =	ssyncset.done $0x0  }
0x36: {  	[sflag:s9] =	ssyncadd.s32 $0xFFFFD800  }
0x37: {  	_ =	sfence.sel $0x180000  }
0x38: {  	[bflag:$0x0] =	sbarrier.arrive $0xFFFF  }
0x39: {  	p0 =	sne.s32 s1, $0x0;
	_ =	strace $0x90000047  }
0x3a: {  	s0 =	sadd.s32 @!p0 $0x100000, s0;
	[bflag:$0x2] =	sbarrier.arrive $0xFFFF  }
0x3b: {  	[sflag:s0] =	ssyncadd.tile.s32 @!p0 $0x1;
	_ =	shalt  }
.Lfunc_end2:
_tile_overlayer_lowered:
.L_overlay_start_2:
0x3c: {  	(tag) =	ssettag $0x2  }
0x3d: {  	s0 =	rddreg [dreg:$0x0];
	s2 =	stileid.u32  }
0x3e: {  	s1 =	rddreg [dreg:$0x1];
	p0 =	sne.s32 s2, $0x0  }
0x3f: {  	s3 =	rddreg [dreg:$0x2];
	[bflag:$0x3] =	sbarrier.arrive $0xFFFF;
	s2 =	simm.s32 @!p0 $0x1C02  }
0x40: {  	[timem:s3], [sflag:s2] =	dma.local @!p0 [hbm:s0], s1  }
0x41: {  	s0 =	simm.s32 @!p0 $0x2  }
0x42: {  	_ =	swait.ge @!p0 [sflag:s0], s1  }
0x43: {  	s1 =	ssub.s32 @!p0 $0x0, s1;
	[sflag:s0] =	ssyncset.done @!p0 $0x0  }
0x44: {  	[sflag:s0] =	ssyncadd.s32 @!p0 s1  }
0x45: {  	[bflag:$0x3] =	sbarrier.arrive $0xFFFF  }
0x46: {  	_ =	shalt  }

// kernel: kernel.13.cloned.1.call-start
scs
__scs_entry_jumppad:
0x0: {  	(pc) =	sbr.rel $0x88, $3  }
0x1: {  	(tag) =	ssettag $0x0;
	lr =	simm.s32 $0x1  }
0x2: {  	[smem:$0x3F99] =	sst lr;
	_ =	strace $0xD0000000  }
0x3: {  	_ = 	snop  }
0x4: {  	_ = 	snop  }
0x5: {  	_ = 	snop  }
0x6: {  	_ = 	snop  }
0x7: {  	_ = 	snop  }
__scs_overlays_trampoline_lowered:
0x8: {  	[smem:$0x3FA8] =	sst s0  }
0x9: {  	[smem:$0x3FA9] =	sst s1  }
0xa: {  	[smem:$0x3FAA] =	sst s2  }
0xb: {  	[smem:$0x3FAB] =	sst s3  }
0xc: {  	[smem:$0x3FAC] =	sst s4  }
0xd: {  	[smem:$0x3FAD] =	sst s5  }
0xe: {  	[smem:$0x3FAE] =	sst s6  }
0xf: {  	[smem:$0x3FAF] =	sst s7  }
0x10: {  	[smem:$0x3FB0] =	sst s8  }
0x11: {  	[smem:$0x3FB1] =	sst s9;
	s0 =	simm.s32 @!p0 $0x0  }
0x12: {  	s1 =	sld [smem:$0x3F97];
	s0 =	simm.s32 @p0 $0x1  }
0x13: {  	[smem:$0x3FB2] =	sst s0;
	s0 =	simm.s32 @!p1 $0x0  }
0x14: {  	s2 =	sld [smem:$0x3F96];
	s0 =	simm.s32 @p1 $0x1  }
0x15: {  	[smem:$0x3FB3] =	sst s0;
	s0 =	simm.s32 @!p2 $0x0  }
0x16: {  	s3 =	sld [smem:$0x3FDB];
	s0 =	simm.s32 @p2 $0x1  }
0x17: {  	s4 =	simm.s32 $0x1BF5;
	[smem:$0x3FB5] =	sst s0  }
0x18: {  	s0 =	sld [smem:$0x3F98];
	_ =	swait.ge [sflag:s4], $0x0  }
0x19: {  	s7 =	sld [smem:$0x3F99]  }
0x1a: {  	s8 =	sadd.s32 $0xFFFFE003, lr  }
0x1b: {  	s9 =	sadd.s32 $0xFFFFFEF7, lr;
	s5 =	simm.s32 $0xFFFFFFFF;
	p2 =	slt.u32 s8, $0xFFFFF086  }
0x1c: {  	p1 =	slt.u32 s9, $0xF7A;
	s5 =	simm.s32 @!p2 $0x0  }
0x1d: {  	s5 =	simm.s32 @p1 $0x1;
	p0 =	seq.s32 s7, s2  }
0x1e: {  	s7 =	smul.u32 @!p0 $0xF7A, s2;
	p2 =	seq.s32 @!p0 s5, $0x0  }
0x1f: {  	s9 =	smul.u32 $0xF7A, s1;
	s8 =	simm.s32 @!p0 $0x1BF5;
	p2 =	por !p2, p0  }
0x20: {  	[sflag:s8] =	ssyncset.s32 @!p0 $0xFFFFF086;
	s6 =	sadd.s32 @!p0 s3, s7;
	s7 =	simm.s32 @!p0 $0x108  }
0x21: {  	s3 =	sadd.s32 s3, s9;
	s6 =	sadd.s32 @!p0 $0x88, s6;
	s7 =	simm.s32 @p2 $0x1082  }
0x22: {  	[simem:s7], [sflag:s8] =	dma.local @!p0 [hbm:s6], $0xF7A  }
0x23: {  	s9 =	sor.u32 $0xD0000000, s2;
	s6 =	simm.s32 $0x108;
	_ =	swait.ge @!p0 [sflag:s8], $0x0  }
0x24: {  	s3 =	sadd.s32 $0x88, s3;
	s6 =	simm.s32 @!p1 $0x1082;
	[sflag:s4] =	ssyncset.s32 $0xFFFFF086  }
0x25: {  	[simem:s6], [sflag:s4] =	dma.local [hbm:s3], $0xF7A  }
0x26: {  	[smem:$0x3F99] =	sst s1;
	(tag) =	ssettag s2;
	_ =	strace s9  }
0x27: {  	s1 =	sld [smem:$0x3FA9]  }
0x28: {  	s2 =	sld [smem:$0x3FAA]  }
0x29: {  	s4 =	sld [smem:$0x3FAC]  }
0x2a: {  	p0 =	seq.s32 s5, $0x0;
	s5 =	sld [smem:$0x3FAD]  }
0x2b: {  	s6 =	sld [smem:$0x3FAE]  }
0x2c: {  	s7 =	sld [smem:$0x3FAF]  }
0x2d: {  	s3 =	simm.s32 $0x108;
	s8 =	sld [smem:$0x3FB0]  }
0x2e: {  	s3 =	simm.s32 @!p0 $0x1082;
	s9 =	sld [smem:$0x3FB1]  }
0x2f: {  	lr =	sadd.s32 s0, s3;
	s0 =	sld [smem:$0x3FA8]  }
0x30: {  	s3 =	sld [smem:$0x3FAB]  }
0x31: {  	[smem:$0x3FB4] =	sst s10  }
0x32: {  	s10 =	sld [smem:$0x3FB2];
	_ =	sdelay $0x3  }
0x33: {  	p0 =	seq.s32 s10, $0x1;
	s10 =	sld [smem:$0x3FB4];
	_ =	sdelay $0x3  }
0x34: {  	[smem:$0x3FB4] =	sst s10  }
0x35: {  	s10 =	sld [smem:$0x3FB3];
	_ =	sdelay $0x3  }
0x36: {  	p1 =	seq.s32 s10, $0x1;
	s10 =	sld [smem:$0x3FB4];
	_ =	sdelay $0x3  }
0x37: {  	[smem:$0x3FB4] =	sst s10  }
0x38: {  	s10 =	sld [smem:$0x3FB5]  }
0x39: {  	_ = 	snop;
	(pc) =	sbr.ind lr, $3  }
0x3a: {  	_ = 	snop  }
0x3b: {  	_ = 	snop  }
0x3c: {  	p2 =	seq.s32 s10, $0x1;
	s10 =	sld [smem:$0x3FB4]  }
0x3d: {  	_ =	shalt  }
0x3e: {  	_ =	shalt  }
0x3f: {  	_ =	shalt  }
0x40: {  	_ =	shalt  }
0x41: {  	_ =	shalt  }
0x42: {  	_ =	shalt  }
0x43: {  	_ =	shalt  }
0x44: {  	_ =	shalt  }
0x45: {  	_ =	shalt  }
0x46: {  	_ =	shalt  }
0x47: {  	_ =	shalt  }
0x48: {  	_ =	shalt  }
0x49: {  	_ =	shalt  }
0x4a: {  	_ =	shalt  }
0x4b: {  	_ =	shalt  }
0x4c: {  	_ =	shalt  }
0x4d: {  	_ =	shalt  }
0x4e: {  	_ =	shalt  }
0x4f: {  	_ =	shalt  }
0x50: {  	_ =	shalt  }
0x51: {  	_ =	shalt  }
0x52: {  	_ =	shalt  }
0x53: {  	_ =	shalt  }
0x54: {  	_ =	shalt  }
0x55: {  	_ =	shalt  }
0x56: {  	_ =	shalt  }
0x57: {  	_ =	shalt  }
0x58: {  	_ =	shalt  }
0x59: {  	_ =	shalt  }
0x5a: {  	_ =	shalt  }
0x5b: {  	_ =	shalt  }
0x5c: {  	_ =	shalt  }
0x5d: {  	_ =	shalt  }
0x5e: {  	_ =	shalt  }
0x5f: {  	_ =	shalt  }
0x60: {  	_ =	shalt  }
0x61: {  	_ =	shalt  }
0x62: {  	_ =	shalt  }
0x63: {  	_ =	shalt  }
0x64: {  	_ =	shalt  }
0x65: {  	_ =	shalt  }
0x66: {  	_ =	shalt  }
0x67: {  	_ =	shalt  }
0x68: {  	_ =	shalt  }
0x69: {  	_ =	shalt  }
0x6a: {  	_ =	shalt  }
0x6b: {  	_ =	shalt  }
0x6c: {  	_ =	shalt  }
0x6d: {  	_ =	shalt  }
0x6e: {  	_ =	shalt  }
0x6f: {  	_ =	shalt  }
0x70: {  	_ =	shalt  }
0x71: {  	_ =	shalt  }
0x72: {  	_ =	shalt  }
0x73: {  	_ =	shalt  }
0x74: {  	_ =	shalt  }
0x75: {  	_ =	shalt  }
0x76: {  	_ =	shalt  }
0x77: {  	_ =	shalt  }
0x78: {  	_ =	shalt  }
0x79: {  	_ =	shalt  }
0x7a: {  	_ =	shalt  }
0x7b: {  	_ =	shalt  }
0x7c: {  	_ =	shalt  }
0x7d: {  	_ =	shalt  }
0x7e: {  	_ =	shalt  }
0x7f: {  	_ =	shalt  }
0x80: {  	_ =	shalt  }
0x81: {  	_ =	shalt  }
0x82: {  	_ =	shalt  }
0x83: {  	_ =	shalt  }
0x84: {  	_ =	shalt  }
0x85: {  	_ =	shalt  }
0x86: {  	_ =	shalt  }
0x87: {  	_ =	shalt  }
.Lfunc_end0:
.L_simem_size_0:
called_computation.1_lowered:
.L_overlay_start_0:
0x88: {  	s2 =	sld [smem:$0x3FD9]  }
0x89: {  	s3 =	sld [smem:$0x3FFE];
	_ =	sdelay $0x1  }
0x8a: {  	s1 =	srdreg.scid  }
0x8b: {  	s0 =	sand.u32 $0x1, s1  }
0x8c: {  	s17 =	sshll.u32 s0, $0xA;
	s2 =	sadd.s32 s3, s2  }
0x8d: {  	s2 =	sadd.s32 s2, s17  }
0x8e: {  	[smem:$0x3FC0] =	sst s2  }
0x8f: {  	_ = 	snop  }
0x90: {  	s2 =	sld [smem:$0x3FD0];
	(tm) =	ssettm $0x1  }
0x91: {  	s18 =	sld [smem:$0x3FFB];
	_ =	sdelay $0x3  }
0x92: {  	_ =	strace s18  }
0x93: {  	s3 =	sld [smem:$0x3FFC];
	_ =	sdelay $0x3  }
0x94: {  	_ =	strace s3  }
0x95: {  	s3 =	sld [smem:$0x3FFD];
	_ =	sdelay $0x3  }
0x96: {  	_ =	strace s3  }
0x97: {  	_ =	strace $0x8FFFFFFF  }
0x98: {  	s19 =	sld [smem:$0x3FDB];
	_ =	sdelay $0x1  }
0x99: {  	s4 =	simm.s32 $_scs_section_size  }
0x9a: {  	s5 =	simm.s32 $_size__tile_overlayer_lowered;
	s6 =	simm.s32 $_tile_overlayer_lowered  }
0x9b: {  	s22 =	simm.s32 $0x1BFF;
	s21 =	sshll.u32 s6, $0x1;
	s3 =	sadd.s32 s4, s19  }
0x9c: {  	s7 =	simm.s32 $0x0;
	s20 =	sshll.u32 s5, $0x1;
	s5 =	sadd.s32 s21, s3  }
0x9d: {  	[timem:s7], [sflag:s22] =	dma.local [hbm:s5], s20  }
0x9e: {  	_ =	swait.ge [sflag:s22], s20  }
0x9f: {  	s4 =	ssub.s32 $0x0, s20;
	[sflag:s22] =	ssyncset.done $0x0  }
0xa0: {  	[sflag:s22] =	ssyncadd.s32 s4;
	_ =	sdelay $0x1  }
0xa1: {  	s23 =	simm.s32 $0x1B8B  }
0xa2: {  	_ =	swait.ge [sflag:s23], $0x1  }
0xa3: {  	[sflag:s23] =	ssyncset.done $0x0  }
0xa4: {  	s25 =	simm.s32 $0x1B8E;
	s24 =	sld [smem:$0x3FFE];
	[sflag:s23] =	ssyncadd.s32 $0xFFFFFFFF  }
0xa5: {  	s26 =	simm.s32 $execute0_lowered;
	[smem:$0x3FD2] =	sst s25  }
0xa6: {  	s5 =	sshll.u32 s26, $0x1;
	_ =	strace $0x80000049;
	[dreg:$0x1] =	wrdreg $0xFFFFFFFF  }
0xa7: {  	s28 =	simm.s32 $_size_execute0_lowered;
	s3 =	sadd.s32 s3, s5;
	[dreg:$0x0] =	wrdreg $0x0  }
0xa8: {  	s5 =	sshll.u32 s28, $0x1;
	[dreg:$0x2] =	wrdreg s3  }
0xa9: {  	[dreg:$0x3] =	wrdreg s5  }
0xaa: {  	[dreg:$0x4] =	wrdreg $0xC0  }
0xab: {  	_ =	task [dreg:s7], $0x5FFFF  }
0xac: {  	[dreg:$0x1] =	wrdreg $0xFFFFFFFF  }
0xad: {  	[dreg:$0x0] =	wrdreg $0x60  }
0xae: {  	[dreg:$0x2] =	wrdreg s24  }
0xaf: {  	[dreg:$0x3] =	wrdreg s2  }
0xb0: {  	[dreg:$0x4] =	wrdreg $0xA9000  }
0xb1: {  	[dreg:$0x5] =	wrdreg $0x9  }
0xb2: {  	_ =	task.clear_ibuf [dreg:s7], $0x6FFFF;
	_ =	strace $0x90000049  }
0xb3: {  	s29 =	simm.s32 $0x9;
	_ =	strace $0x8000004B  }
0xb4: {  	_ =	swait.ge [sflag:s29], $0x1  }
0xb5: {  	[sflag:s29] =	ssyncadd.s32 $0xFFFFFFFF  }
0xb6: {  	_ =	strace $0x9000004B  }
0xb7: {  	_ =	sfence  }
0xb8: {  	s30 =	sld [smem:$0x0];
	_ =	sdelay $0x2  }
0xb9: {  	s31 =	sshll.u32 s1, $0xD;
	s1 =	sshrl.u32 s1, $0x2  }
0xba: {  	s3 =	sand.u32 $0x4000, s31;
	s1 =	sadd.s32 s1, s30  }
0xbb: {  	s0 =	sor.u32 s3, s0;
	s1 =	sshll.u32 s1, $0x11  }
0xbc: {  	s0 =	sor.u32 s1, s0  }
0xbd: {  	s0 =	sadd.s32 $0x8F2B, s0  }
0xbe: {  	[sflag:s0] =	ssyncadd.remote.s32 $0x1  }
0xbf: {  	_ =	sfence.sel $0xFFFF  }
0xc0: {  	[dreg:$0x0] =	wrdreg $0xFFFFFFFF;
	(pc) =	sbr.abs _section_cstart, $3  }
0xc1: {  	[dreg:$0x1] =	wrdreg $0xFFFFFFFF  }
0xc2: {  	_ =	task.clear_ibuf [dreg:s7], $0x2FFFF;
	_ =	strace $0x9FFFFFFF  }
0xc3: {  	(tm) =	ssettm $0x7FFFFFFF  }
tec
execute0_lowered:
.L_overlay_start_1:
0x0: {  	(tag) =	ssettag $0x1  }
0x1: {  	s7 =	rddreg [dreg:$0x0]  }
0x2: {  	s2 =	rddreg [dreg:$0x1]  }
0x3: {  	s0 =	srdreg.scid;
	s3 =	rddreg [dreg:$0x2];
	s4 =	simm.s32 $0x0  }
0x4: {  	s18 =	simm.s32 $0x2880;
	s19 =	simm.s32 $0x2900;
	s20 =	simm.s32 $0x4  }
0x5: {  	s21 =	simm.s32 $0x80;
	s22 =	simm.s32 $0x6900;
	s23 =	simm.s32 $0x5  }
0x6: {  	s28 =	simm.s32 $0x0;
	s6 =	sand.u32 $0x1, s0;
	s0 =	stileid.u32  }
0x7: {  	[smem:$0x7FF] =	sst s4;
	s13 =	sadd.s32 $0xE400, s7;
	s8 =	smul.u32 $0x2800, s0  }
0x8: {  	s1 =	sshll.u32 s6, $0x4;
	s10 =	smul.u32 $0x28000, s6;
	_ =	strace $0x8000004A  }
0x9: {  	s6 =	ssub.s32 $0x2, s6;
	s24 =	smul.u32 $0x50000, s0;
	s1 =	sor.u32 s0, s1  }
0xa: {  	s29 =	sshll.u32 s0, $0x6;
	s25 =	sshrl.u32 s6, $0x1;
	s5 =	smul.u32 $0x2800, s1  }
0xb: {  	s12 =	sadd.s32 s8, s10;
	s14 =	ssub.s32 s6, s25;
	s26 =	sshrl.u32 s24, $0x2  }
0xc: {  	s8 =	sor.u32 $0x1C06, s29;
	s24 =	simm.s32 $0x2;
	s25 =	simm.s32 $0x3  }
0xd: {  	s10 =	sadd.s32 s12, s7;
	s15 =	sadd.s32 s26, s3;
	s30 =	sor.u32 $0x180, s12  }
0xe: {  	s17 =	sor.u32 $0x100, s12;
	s26 =	simm.s32 $0x2780;
	s9 =	sshrl.u32 s5, $0x3  }
0xf: {  	s5 =	sadd.s32 $0x18400, s7;
	s10 =	sadd.s32 $0x40400, s10;
	s16 =	sshrl.u32 s30, $0x3  }
0x10: {  	s31 =	sshrl.u32 s17, $0x3;
	s17 =	simm.s32 $0x2800;
	s11 =	sadd.s32 s9, s7  }
0x11: {  	s7 =	sadd.s32 s13, s9;
	s12 =	sadd.s32 s16, s13;
	s13 =	sadd.s32 s31, s13  }
0x12: {  	s16 =	simm.s32 $0x1;
	s6 =	sadd.s32 $0x4400, s11;
	s9 =	sadd.s32 $0x10, s7  }
0x13: {  	s11 =	smax.u32 s14, $0x1;
	s14 =	sshrl.u32 s15, $0x3;
	s15 =	simm.s32 $0x6  }
.LBB2_1:
0x14: {  	[tilespmem:s4], [sflag:$0x1] =	stream.linear.gather [hbm4b:s6+s4], $0x2800, $0x38;
	[tilespmem:$0x1E900] =	vst v63  }
0x15: {  	[spmem:s14], [sflag:s8] =	dma.local [hbm:s2], $0x2800  }
0x16: {  	_ =	swait.ge [sflag:s15], $0x2800  }
0x17: {  	[sflag:s15] =	ssyncset.done $0x0  }
0x18: {  	[sflag:s15] =	ssyncadd.s32 $0xFFFFD800  }
0x19: {  	_ =	swait.ge [sflag:s16], $0x2800  }
0x1a: {  	[sflag:s16] =	ssyncset.done $0x0  }
0x1b: {  	[sflag:s16] =	ssyncadd.s32 $0xFFFFD800  }
0x1c: {  	[bflag:$0x0] =	sbarrier.arrive $0xFFFF  }
0x1d: {  	[tilespmem:s17], [sflag:$0x4] =	stream.linear.gather [hbm4b:s7+s4], $0x80, $0x38;
	[tilespmem:$0x1E900] =	vst v63  }
0x1e: {  	_ = 	snop  }
0x1f: {  	[tilespmem:s18], [sflag:$0x5] =	stream.linear.gather [hbm4b:s9+s4], $0x80, $0x38;
	[tilespmem:$0x1E900] =	vst v63  }
0x20: {  	_ = 	snop  }
0x21: {  	[tilespmem:s19], [sflag:$0x1] =	stream.indirect.gather [hbm4b:s5+s21], $0x80, s4, s21, $0xb8;
	[tilespmem:$0x1E900] =	vst v63  }
0x22: {  	_ =	swait.ge [sflag:s20], $0x80  }
0x23: {  	[sflag:s20] =	ssyncset.done $0x0  }
0x24: {  	[sflag:s20] =	ssyncadd.s32 $0xFFFFFF80  }
0x25: {  	_ =	swait.ge [sflag:s16], $0x4000  }
0x26: {  	[sflag:s16] =	ssyncset.done $0x0  }
0x27: {  	[sflag:s16] =	ssyncadd.s32 $0xFFFFC000  }
0x28: {  	[tilespmem:s22], [sflag:$0x2] =	stream.indirect.gather [hbm4b:s5+s21], $0x80, s21, s21, $0xb8;
	[tilespmem:$0x1E900] =	vst v63  }
0x29: {  	_ = 	snop  }
0x2a: {  	[spmem:s3] =	stream.indirect.scatter.add.f32 [tilespmem:s19], [sflag:$0x3], $0x80, s17, s21, $0xb8;
	[tilespmem:$0x1E900] =	vst v63  }
0x2b: {  	_ =	swait.ge [sflag:s23], $0x80  }
0x2c: {  	[sflag:s23] =	ssyncset.done $0x0  }
0x2d: {  	[sflag:s23] =	ssyncadd.s32 $0xFFFFFF80  }
0x2e: {  	_ =	swait.ge [sflag:s24], $0x4000  }
0x2f: {  	[sflag:s24] =	ssyncset.done $0x0  }
0x30: {  	[sflag:s24] =	ssyncadd.s32 $0xFFFFC000  }
0x31: {  	_ =	swait.ge [sflag:s25], $0x4000  }
0x32: {  	[sflag:s25] =	ssyncset.done $0x0  }
0x33: {  	s29 =	simm.s32 $0x100;
	[sflag:s25] =	ssyncadd.s32 $0xFFFFC000  }
0x34: {  	[tilespmem:s19], [sflag:$0x1] =	stream.indirect.gather [hbm4b:s5+s21], $0x80, s29, s21, $0xb8;
	[tilespmem:$0x1E900] =	vst v63  }
0x35: {  	s29 =	sadd.s32 $0x0, s13  }
0x36: {  	[tilespmem:s17], [sflag:$0x4] =	stream.linear.gather [hbm4b:s29+s4], $0x80, $0x38;
	[tilespmem:$0x1E900] =	vst v63  }
0x37: {  	_ = 	snop  }
0x38: {  	[spmem:s3] =	stream.indirect.scatter.add.f32 [tilespmem:s22], [sflag:$0x6], $0x80, s18, s21, $0xb8;
	[tilespmem:$0x1E900] =	vst v63  }
0x39: {  	_ =	swait.ge [sflag:s15], $0x4000  }
0x3a: {  	s31 =	sadd.s32 $0x0, s12;
	[sflag:s15] =	ssyncset.done $0x0  }
0x3b: {  	s30 =	simm.s32 $0x180;
	s29 =	simm.s32 $0x20;
	[sflag:s15] =	ssyncadd.s32 $0xFFFFC000  }
.LBB2_2:
0x3c: {  	[tilespmem:s18], [sflag:$0x5] =	stream.linear.gather [hbm4b:s31+s4], $0x80, $0x38;
	[tilespmem:$0x1E900] =	vst v63  }
0x3d: {  	s31 =	smov.u32 s29  }
0x3e: {  	p0 =	sne.s32 s29, $0x4C0;
	s29 =	sadd.s32 $0x20, s29;
	_ =	swait.ge [sflag:s20], $0x80  }
0x3f: {  	[sflag:s20] =	ssyncset.done $0x0  }
0x40: {  	[sflag:s20] =	ssyncadd.s32 $0xFFFFFF80  }
0x41: {  	_ =	swait.ge [sflag:s16], $0x4000  }
0x42: {  	[sflag:s16] =	ssyncset.done $0x0  }
0x43: {  	[sflag:s16] =	ssyncadd.s32 $0xFFFFC000  }
0x44: {  	[tilespmem:s22], [sflag:$0x2] =	stream.indirect.gather [hbm4b:s5+s21], $0x80, s30, s21, $0xb8;
	[tilespmem:$0x1E900] =	vst v63  }
0x45: {  	_ = 	snop  }
0x46: {  	[spmem:s3] =	stream.indirect.scatter.add.f32 [tilespmem:s19], [sflag:$0x3], $0x80, s17, s21, $0xb8;
	[tilespmem:$0x1E900] =	vst v63  }
0x47: {  	_ =	swait.ge [sflag:s23], $0x80  }
0x48: {  	[sflag:s23] =	ssyncset.done $0x0  }
0x49: {  	[sflag:s23] =	ssyncadd.s32 $0xFFFFFF80  }
0x4a: {  	_ =	swait.ge [sflag:s24], $0x4000  }
0x4b: {  	[sflag:s24] =	ssyncset.done $0x0  }
0x4c: {  	[sflag:s24] =	ssyncadd.s32 $0xFFFFC000  }
0x4d: {  	_ =	swait.ge [sflag:s25], $0x4000  }
0x4e: {  	[sflag:s25] =	ssyncset.done $0x0  }
0x4f: {  	s1 =	sadd.s32 $0x80, s30;
	[sflag:s25] =	ssyncadd.s32 $0xFFFFC000  }
0x50: {  	[tilespmem:s19], [sflag:$0x1] =	stream.indirect.gather [hbm4b:s5+s21], $0x80, s1, s21, $0xb8;
	[tilespmem:$0x1E900] =	vst v63  }
0x51: {  	s1 =	sadd.s32 s31, s13  }
0x52: {  	[tilespmem:s17], [sflag:$0x4] =	stream.linear.gather [hbm4b:s1+s4], $0x80, $0x38;
	[tilespmem:$0x1E900] =	vst v63  }
.Ltmp0:
0x53: {  	(pc) =	sbr.rel @p0 .LBB2_2-.Ltmp0, $4  }
0x54: {  	[spmem:s3] =	stream.indirect.scatter.add.f32 [tilespmem:s22], [sflag:$0x6], $0x80, s18, s21, $0xb8;
	[tilespmem:$0x1E900] =	vst v63  }
0x55: {  	_ =	swait.ge [sflag:s15], $0x4000  }
0x56: {  	[sflag:s15] =	ssyncset.done $0x0  }
0x57: {  	s30 =	sadd.s32 $0x100, s30;
	s31 =	sadd.s32 s31, s12;
	[sflag:s15] =	ssyncadd.s32 $0xFFFFC000  }
0x58: {  	[tilespmem:s18], [sflag:$0x5] =	stream.linear.gather [hbm4b:s31+s4], $0x80, $0x38;
	[tilespmem:$0x1E900] =	vst v63  }
0x59: {  	_ =	swait.ge [sflag:s20], $0x80  }
0x5a: {  	[sflag:s20] =	ssyncset.done $0x0  }
0x5b: {  	[sflag:s20] =	ssyncadd.s32 $0xFFFFFF80  }
0x5c: {  	_ =	swait.ge [sflag:s16], $0x4000  }
0x5d: {  	[sflag:s16] =	ssyncset.done $0x0  }
0x5e: {  	[sflag:s16] =	ssyncadd.s32 $0xFFFFC000  }
0x5f: {  	[tilespmem:s22], [sflag:$0x2] =	stream.indirect.gather [hbm4b:s5+s21], $0x80, s26, s21, $0xb8;
	[tilespmem:$0x1E900] =	vst v63  }
0x60: {  	_ = 	snop  }
0x61: {  	[spmem:s3] =	stream.indirect.scatter.add.f32 [tilespmem:s19], [sflag:$0x3], $0x80, s17, s21, $0xb8;
	[tilespmem:$0x1E900] =	vst v63  }
0x62: {  	_ =	swait.ge [sflag:s23], $0x80  }
0x63: {  	[sflag:s23] =	ssyncset.done $0x0  }
0x64: {  	[sflag:s23] =	ssyncadd.s32 $0xFFFFFF80  }
0x65: {  	_ =	swait.ge [sflag:s24], $0x4000  }
0x66: {  	[sflag:s24] =	ssyncset.done $0x0  }
0x67: {  	[sflag:s24] =	ssyncadd.s32 $0xFFFFC000  }
0x68: {  	_ =	swait.ge [sflag:s25], $0x4000  }
0x69: {  	[sflag:s25] =	ssyncset.done $0x0  }
0x6a: {  	[sflag:s25] =	ssyncadd.s32 $0xFFFFC000  }
0x6b: {  	[spmem:s3] =	stream.indirect.scatter.add.f32 [tilespmem:s22], [sflag:$0x6], $0x80, s18, s21, $0xb8;
	[tilespmem:$0x1E900] =	vst v63  }
0x6c: {  	_ =	swait.ge [sflag:s15], $0x4000  }
0x6d: {  	s28 =	sadd.s32 $0x1, s28;
	[sflag:s15] =	ssyncset.done $0x0  }
0x6e: {  	p0 =	sne.s32 s28, s11;
	[sflag:s15] =	ssyncadd.s32 $0xFFFFC000  }
.Ltmp1:
0x6f: {  	[bflag:$0x0] =	sbarrier.arrive $0xFFFF;
	(pc) =	sbr.rel @p0 .LBB2_1-.Ltmp1, $4  }
0x70: {  	[hbm:s10], [sflag:s8] =	dma.local [spmem:s14], $0x2800  }
0x71: {  	_ =	swait.ge [sflag:s15], $0x2800  }
0x72: {  	[sflag:s15] =	ssyncset.done $0x0  }
0x73: {  	[sflag:s15] =	ssyncadd.s32 $0xFFFFD800  }
0x74: {  	_ =	sfence.sel $0x180000  }
0x75: {  	[bflag:$0x0] =	sbarrier.arrive $0xFFFF  }
0x76: {  	_ =	strace $0x9000004A  }
0x77: {  	[bflag:$0x2] =	sbarrier.arrive $0xFFFF  }
0x78: {  	p0 =	sne.s32 s0, $0x0;
	s0 =	rddreg [dreg:$0x3]  }
0x79: {  	s0 =	sadd.s32 @!p0 $0x100000, s0  }
0x7a: {  	[sflag:s0] =	ssyncadd.tile.s32 @!p0 $0x1;
	_ =	shalt  }
.Lfunc_end2:
_tile_overlayer_lowered:
.L_overlay_start_2:
0x7b: {  	(tag) =	ssettag $0x2  }
0x7c: {  	s0 =	rddreg [dreg:$0x0];
	s2 =	stileid.u32  }
0x7d: {  	s1 =	rddreg [dreg:$0x1];
	p0 =	sne.s32 s2, $0x0  }
0x7e: {  	s3 =	rddreg [dreg:$0x2];
	[bflag:$0x3] =	sbarrier.arrive $0xFFFF;
	s2 =	simm.s32 @!p0 $0x1C06  }
0x7f: {  	[timem:s3], [sflag:s2] =	dma.local @!p0 [hbm:s0], s1  }
0x80: {  	s0 =	simm.s32 @!p0 $0x6  }
0x81: {  	_ =	swait.ge @!p0 [sflag:s0], s1  }
0x82: {  	s1 =	ssub.s32 @!p0 $0x0, s1;
	[sflag:s0] =	ssyncset.done @!p0 $0x0  }
0x83: {  	[sflag:s0] =	ssyncadd.s32 @!p0 s1  }
0x84: {  	[bflag:$0x3] =	sbarrier.arrive $0xFFFF  }
0x85: {  	_ =	shalt  }

// kernel: kernel.16.cloned.1.call-start
scs
__scs_entry_jumppad:
0x0: {  	(pc) =	sbr.rel $0x88, $3  }
0x1: {  	(tag) =	ssettag $0x0;
	lr =	simm.s32 $0x1  }
0x2: {  	[smem:$0x3F99] =	sst lr;
	_ =	strace $0xD0000000  }
0x3: {  	_ = 	snop  }
0x4: {  	_ = 	snop  }
0x5: {  	_ = 	snop  }
0x6: {  	_ = 	snop  }
0x7: {  	_ = 	snop  }
__scs_overlays_trampoline_lowered:
0x8: {  	[smem:$0x3FA8] =	sst s0  }
0x9: {  	[smem:$0x3FA9] =	sst s1  }
0xa: {  	[smem:$0x3FAA] =	sst s2  }
0xb: {  	[smem:$0x3FAB] =	sst s3  }
0xc: {  	[smem:$0x3FAC] =	sst s4  }
0xd: {  	[smem:$0x3FAD] =	sst s5  }
0xe: {  	[smem:$0x3FAE] =	sst s6  }
0xf: {  	[smem:$0x3FAF] =	sst s7  }
0x10: {  	[smem:$0x3FB0] =	sst s8  }
0x11: {  	[smem:$0x3FB1] =	sst s9;
	s0 =	simm.s32 @!p0 $0x0  }
0x12: {  	s1 =	sld [smem:$0x3F97];
	s0 =	simm.s32 @p0 $0x1  }
0x13: {  	[smem:$0x3FB2] =	sst s0;
	s0 =	simm.s32 @!p1 $0x0  }
0x14: {  	s2 =	sld [smem:$0x3F96];
	s0 =	simm.s32 @p1 $0x1  }
0x15: {  	[smem:$0x3FB3] =	sst s0;
	s0 =	simm.s32 @!p2 $0x0  }
0x16: {  	s3 =	sld [smem:$0x3FDB];
	s0 =	simm.s32 @p2 $0x1  }
0x17: {  	s4 =	simm.s32 $0x1BF5;
	[smem:$0x3FB5] =	sst s0  }
0x18: {  	s0 =	sld [smem:$0x3F98];
	_ =	swait.ge [sflag:s4], $0x0  }
0x19: {  	s7 =	sld [smem:$0x3F99]  }
0x1a: {  	s8 =	sadd.s32 $0xFFFFE003, lr  }
0x1b: {  	s9 =	sadd.s32 $0xFFFFFEF7, lr;
	s5 =	simm.s32 $0xFFFFFFFF;
	p2 =	slt.u32 s8, $0xFFFFF086  }
0x1c: {  	p1 =	slt.u32 s9, $0xF7A;
	s5 =	simm.s32 @!p2 $0x0  }
0x1d: {  	s5 =	simm.s32 @p1 $0x1;
	p0 =	seq.s32 s7, s2  }
0x1e: {  	s7 =	smul.u32 @!p0 $0xF7A, s2;
	p2 =	seq.s32 @!p0 s5, $0x0  }
0x1f: {  	s9 =	smul.u32 $0xF7A, s1;
	s8 =	simm.s32 @!p0 $0x1BF5;
	p2 =	por !p2, p0  }
0x20: {  	[sflag:s8] =	ssyncset.s32 @!p0 $0xFFFFF086;
	s6 =	sadd.s32 @!p0 s3, s7;
	s7 =	simm.s32 @!p0 $0x108  }
0x21: {  	s3 =	sadd.s32 s3, s9;
	s6 =	sadd.s32 @!p0 $0x88, s6;
	s7 =	simm.s32 @p2 $0x1082  }
0x22: {  	[simem:s7], [sflag:s8] =	dma.local @!p0 [hbm:s6], $0xF7A  }
0x23: {  	s9 =	sor.u32 $0xD0000000, s2;
	s6 =	simm.s32 $0x108;
	_ =	swait.ge @!p0 [sflag:s8], $0x0  }
0x24: {  	s3 =	sadd.s32 $0x88, s3;
	s6 =	simm.s32 @!p1 $0x1082;
	[sflag:s4] =	ssyncset.s32 $0xFFFFF086  }
0x25: {  	[simem:s6], [sflag:s4] =	dma.local [hbm:s3], $0xF7A  }
0x26: {  	[smem:$0x3F99] =	sst s1;
	(tag) =	ssettag s2;
	_ =	strace s9  }
0x27: {  	s1 =	sld [smem:$0x3FA9]  }
0x28: {  	s2 =	sld [smem:$0x3FAA]  }
0x29: {  	s4 =	sld [smem:$0x3FAC]  }
0x2a: {  	p0 =	seq.s32 s5, $0x0;
	s5 =	sld [smem:$0x3FAD]  }
0x2b: {  	s6 =	sld [smem:$0x3FAE]  }
0x2c: {  	s7 =	sld [smem:$0x3FAF]  }
0x2d: {  	s3 =	simm.s32 $0x108;
	s8 =	sld [smem:$0x3FB0]  }
0x2e: {  	s3 =	simm.s32 @!p0 $0x1082;
	s9 =	sld [smem:$0x3FB1]  }
0x2f: {  	lr =	sadd.s32 s0, s3;
	s0 =	sld [smem:$0x3FA8]  }
0x30: {  	s3 =	sld [smem:$0x3FAB]  }
0x31: {  	[smem:$0x3FB4] =	sst s10  }
0x32: {  	s10 =	sld [smem:$0x3FB2];
	_ =	sdelay $0x3  }
0x33: {  	p0 =	seq.s32 s10, $0x1;
	s10 =	sld [smem:$0x3FB4];
	_ =	sdelay $0x3  }
0x34: {  	[smem:$0x3FB4] =	sst s10  }
0x35: {  	s10 =	sld [smem:$0x3FB3];
	_ =	sdelay $0x3  }
0x36: {  	p1 =	seq.s32 s10, $0x1;
	s10 =	sld [smem:$0x3FB4];
	_ =	sdelay $0x3  }
0x37: {  	[smem:$0x3FB4] =	sst s10  }
0x38: {  	s10 =	sld [smem:$0x3FB5]  }
0x39: {  	_ = 	snop;
	(pc) =	sbr.ind lr, $3  }
0x3a: {  	_ = 	snop  }
0x3b: {  	_ = 	snop  }
0x3c: {  	p2 =	seq.s32 s10, $0x1;
	s10 =	sld [smem:$0x3FB4]  }
0x3d: {  	_ =	shalt  }
0x3e: {  	_ =	shalt  }
0x3f: {  	_ =	shalt  }
0x40: {  	_ =	shalt  }
0x41: {  	_ =	shalt  }
0x42: {  	_ =	shalt  }
0x43: {  	_ =	shalt  }
0x44: {  	_ =	shalt  }
0x45: {  	_ =	shalt  }
0x46: {  	_ =	shalt  }
0x47: {  	_ =	shalt  }
0x48: {  	_ =	shalt  }
0x49: {  	_ =	shalt  }
0x4a: {  	_ =	shalt  }
0x4b: {  	_ =	shalt  }
0x4c: {  	_ =	shalt  }
0x4d: {  	_ =	shalt  }
0x4e: {  	_ =	shalt  }
0x4f: {  	_ =	shalt  }
0x50: {  	_ =	shalt  }
0x51: {  	_ =	shalt  }
0x52: {  	_ =	shalt  }
0x53: {  	_ =	shalt  }
0x54: {  	_ =	shalt  }
0x55: {  	_ =	shalt  }
0x56: {  	_ =	shalt  }
0x57: {  	_ =	shalt  }
0x58: {  	_ =	shalt  }
0x59: {  	_ =	shalt  }
0x5a: {  	_ =	shalt  }
0x5b: {  	_ =	shalt  }
0x5c: {  	_ =	shalt  }
0x5d: {  	_ =	shalt  }
0x5e: {  	_ =	shalt  }
0x5f: {  	_ =	shalt  }
0x60: {  	_ =	shalt  }
0x61: {  	_ =	shalt  }
0x62: {  	_ =	shalt  }
0x63: {  	_ =	shalt  }
0x64: {  	_ =	shalt  }
0x65: {  	_ =	shalt  }
0x66: {  	_ =	shalt  }
0x67: {  	_ =	shalt  }
0x68: {  	_ =	shalt  }
0x69: {  	_ =	shalt  }
0x6a: {  	_ =	shalt  }
0x6b: {  	_ =	shalt  }
0x6c: {  	_ =	shalt  }
0x6d: {  	_ =	shalt  }
0x6e: {  	_ =	shalt  }
0x6f: {  	_ =	shalt  }
0x70: {  	_ =	shalt  }
0x71: {  	_ =	shalt  }
0x72: {  	_ =	shalt  }
0x73: {  	_ =	shalt  }
0x74: {  	_ =	shalt  }
0x75: {  	_ =	shalt  }
0x76: {  	_ =	shalt  }
0x77: {  	_ =	shalt  }
0x78: {  	_ =	shalt  }
0x79: {  	_ =	shalt  }
0x7a: {  	_ =	shalt  }
0x7b: {  	_ =	shalt  }
0x7c: {  	_ =	shalt  }
0x7d: {  	_ =	shalt  }
0x7e: {  	_ =	shalt  }
0x7f: {  	_ =	shalt  }
0x80: {  	_ =	shalt  }
0x81: {  	_ =	shalt  }
0x82: {  	_ =	shalt  }
0x83: {  	_ =	shalt  }
0x84: {  	_ =	shalt  }
0x85: {  	_ =	shalt  }
0x86: {  	_ =	shalt  }
0x87: {  	_ =	shalt  }
.Lfunc_end0:
.L_simem_size_0:
called_computation.2_lowered:
.L_overlay_start_0:
0x88: {  	s2 =	sld [smem:$0x3FD9]  }
0x89: {  	s3 =	sld [smem:$0x3FFE];
	_ =	sdelay $0x1  }
0x8a: {  	s1 =	srdreg.scid  }
0x8b: {  	s0 =	sand.u32 $0x1, s1  }
0x8c: {  	s17 =	sshll.u32 s0, $0xA;
	s2 =	sadd.s32 s3, s2  }
0x8d: {  	s2 =	sadd.s32 s2, s17  }
0x8e: {  	[smem:$0x3FC0] =	sst s2  }
0x8f: {  	_ = 	snop  }
0x90: {  	s2 =	sld [smem:$0x3FD0];
	(tm) =	ssettm $0x1  }
0x91: {  	s18 =	sld [smem:$0x3FFB];
	_ =	sdelay $0x3  }
0x92: {  	_ =	strace s18  }
0x93: {  	s3 =	sld [smem:$0x3FFC];
	_ =	sdelay $0x3  }
0x94: {  	_ =	strace s3  }
0x95: {  	s3 =	sld [smem:$0x3FFD];
	_ =	sdelay $0x3  }
0x96: {  	_ =	strace s3  }
0x97: {  	_ =	strace $0x8FFFFFFF  }
0x98: {  	s19 =	sld [smem:$0x3FDB];
	_ =	sdelay $0x1  }
0x99: {  	s4 =	simm.s32 $_scs_section_size  }
0x9a: {  	s5 =	simm.s32 $_size__tile_overlayer_lowered;
	s6 =	simm.s32 $_tile_overlayer_lowered  }
0x9b: {  	s22 =	simm.s32 $0x1BFF;
	s21 =	sshll.u32 s6, $0x1;
	s3 =	sadd.s32 s4, s19  }
0x9c: {  	s7 =	simm.s32 $0x0;
	s20 =	sshll.u32 s5, $0x1;
	s5 =	sadd.s32 s21, s3  }
0x9d: {  	[timem:s7], [sflag:s22] =	dma.local [hbm:s5], s20  }
0x9e: {  	_ =	swait.ge [sflag:s22], s20  }
0x9f: {  	s4 =	ssub.s32 $0x0, s20;
	[sflag:s22] =	ssyncset.done $0x0  }
0xa0: {  	[sflag:s22] =	ssyncadd.s32 s4;
	_ =	sdelay $0x1  }
0xa1: {  	s23 =	simm.s32 $0x1B8B  }
0xa2: {  	_ =	swait.ge [sflag:s23], $0x1  }
0xa3: {  	[sflag:s23] =	ssyncset.done $0x0  }
0xa4: {  	s25 =	simm.s32 $0x1B8E;
	s24 =	sld [smem:$0x3FFE];
	[sflag:s23] =	ssyncadd.s32 $0xFFFFFFFF  }
0xa5: {  	s26 =	simm.s32 $execute0_lowered;
	[smem:$0x3FD2] =	sst s25  }
0xa6: {  	s5 =	sshll.u32 s26, $0x1;
	_ =	strace $0x8000004C;
	[dreg:$0x1] =	wrdreg $0xFFFFFFFF  }
0xa7: {  	s28 =	simm.s32 $_size_execute0_lowered;
	s3 =	sadd.s32 s3, s5;
	[dreg:$0x0] =	wrdreg $0x0  }
0xa8: {  	s5 =	sshll.u32 s28, $0x1;
	[dreg:$0x2] =	wrdreg s3  }
0xa9: {  	[dreg:$0x3] =	wrdreg s5  }
0xaa: {  	[dreg:$0x4] =	wrdreg $0xC0  }
0xab: {  	_ =	task [dreg:s7], $0x5FFFF  }
0xac: {  	[dreg:$0x1] =	wrdreg $0xFFFFFFFF  }
0xad: {  	[dreg:$0x0] =	wrdreg $0x60  }
0xae: {  	[dreg:$0x2] =	wrdreg s24  }
0xaf: {  	[dreg:$0x3] =	wrdreg s2  }
0xb0: {  	[dreg:$0x4] =	wrdreg $0xA9000  }
0xb1: {  	[dreg:$0x5] =	wrdreg $0x9  }
0xb2: {  	_ =	task.clear_ibuf [dreg:s7], $0x6FFFF;
	_ =	strace $0x9000004C  }
0xb3: {  	s29 =	simm.s32 $0x9;
	_ =	strace $0x8000004E  }
0xb4: {  	_ =	swait.ge [sflag:s29], $0x1  }
0xb5: {  	[sflag:s29] =	ssyncadd.s32 $0xFFFFFFFF  }
0xb6: {  	_ =	strace $0x9000004E  }
0xb7: {  	_ =	sfence  }
0xb8: {  	s30 =	sld [smem:$0x0];
	_ =	sdelay $0x2  }
0xb9: {  	s31 =	sshll.u32 s1, $0xD;
	s1 =	sshrl.u32 s1, $0x2  }
0xba: {  	s3 =	sand.u32 $0x4000, s31;
	s1 =	sadd.s32 s1, s30  }
0xbb: {  	s0 =	sor.u32 s3, s0;
	s1 =	sshll.u32 s1, $0x11  }
0xbc: {  	s0 =	sor.u32 s1, s0  }
0xbd: {  	s0 =	sadd.s32 $0x8F2B, s0  }
0xbe: {  	[sflag:s0] =	ssyncadd.remote.s32 $0x1  }
0xbf: {  	_ =	sfence.sel $0xFFFF  }
0xc0: {  	[dreg:$0x0] =	wrdreg $0xFFFFFFFF;
	(pc) =	sbr.abs _section_cstart, $3  }
0xc1: {  	[dreg:$0x1] =	wrdreg $0xFFFFFFFF  }
0xc2: {  	_ =	task.clear_ibuf [dreg:s7], $0x2FFFF;
	_ =	strace $0x9FFFFFFF  }
0xc3: {  	(tm) =	ssettm $0x7FFFFFFF  }
tec
execute0_lowered:
.L_overlay_start_1:
0x0: {  	(tag) =	ssettag $0x1  }
0x1: {  	s7 =	rddreg [dreg:$0x0]  }
0x2: {  	s2 =	rddreg [dreg:$0x1]  }
0x3: {  	s0 =	srdreg.scid;
	s3 =	rddreg [dreg:$0x2];
	s4 =	simm.s32 $0x0  }
0x4: {  	s18 =	simm.s32 $0x2880;
	s19 =	simm.s32 $0x2900;
	s20 =	simm.s32 $0x4  }
0x5: {  	s21 =	simm.s32 $0x80;
	s22 =	simm.s32 $0x6900;
	s23 =	simm.s32 $0x5  }
0x6: {  	s28 =	simm.s32 $0x0;
	s6 =	sand.u32 $0x1, s0;
	s0 =	stileid.u32  }
0x7: {  	[smem:$0x7FF] =	sst s4;
	s13 =	sadd.s32 $0xE400, s7;
	s8 =	smul.u32 $0x2800, s0  }
0x8: {  	s1 =	sshll.u32 s6, $0x4;
	s10 =	smul.u32 $0x28000, s6;
	_ =	strace $0x8000004D  }
0x9: {  	s6 =	ssub.s32 $0x2, s6;
	s24 =	smul.u32 $0x50000, s0;
	s1 =	sor.u32 s0, s1  }
0xa: {  	s29 =	sshll.u32 s0, $0x6;
	s25 =	sshrl.u32 s6, $0x1;
	s5 =	smul.u32 $0x2800, s1  }
0xb: {  	s12 =	sadd.s32 s8, s10;
	s14 =	ssub.s32 s6, s25;
	s26 =	sshrl.u32 s24, $0x2  }
0xc: {  	s8 =	sor.u32 $0x1C06, s29;
	s24 =	simm.s32 $0x2;
	s25 =	simm.s32 $0x3  }
0xd: {  	s10 =	sadd.s32 s12, s7;
	s15 =	sadd.s32 s26, s3;
	s30 =	sor.u32 $0x180, s12  }
0xe: {  	s17 =	sor.u32 $0x100, s12;
	s26 =	simm.s32 $0x2780;
	s9 =	sshrl.u32 s5, $0x3  }
0xf: {  	s5 =	sadd.s32 $0x18400, s7;
	s10 =	sadd.s32 $0x40400, s10;
	s16 =	sshrl.u32 s30, $0x3  }
0x10: {  	s31 =	sshrl.u32 s17, $0x3;
	s17 =	simm.s32 $0x2800;
	s11 =	sadd.s32 s9, s7  }
0x11: {  	s7 =	sadd.s32 s13, s9;
	s12 =	sadd.s32 s16, s13;
	s13 =	sadd.s32 s31, s13  }
0x12: {  	s16 =	simm.s32 $0x1;
	s6 =	sadd.s32 $0x4400, s11;
	s9 =	sadd.s32 $0x10, s7  }
0x13: {  	s11 =	smax.u32 s14, $0x1;
	s14 =	sshrl.u32 s15, $0x3;
	s15 =	simm.s32 $0x6  }
.LBB2_1:
0x14: {  	[tilespmem:s4], [sflag:$0x1] =	stream.linear.gather [hbm4b:s6+s4], $0x2800, $0x38;
	[tilespmem:$0x1E900] =	vst v63  }
0x15: {  	[spmem:s14], [sflag:s8] =	dma.local [hbm:s2], $0x2800  }
0x16: {  	_ =	swait.ge [sflag:s15], $0x2800  }
0x17: {  	[sflag:s15] =	ssyncset.done $0x0  }
0x18: {  	[sflag:s15] =	ssyncadd.s32 $0xFFFFD800  }
0x19: {  	_ =	swait.ge [sflag:s16], $0x2800  }
0x1a: {  	[sflag:s16] =	ssyncset.done $0x0  }
0x1b: {  	[sflag:s16] =	ssyncadd.s32 $0xFFFFD800  }
0x1c: {  	[bflag:$0x0] =	sbarrier.arrive $0xFFFF  }
0x1d: {  	[tilespmem:s17], [sflag:$0x4] =	stream.linear.gather [hbm4b:s7+s4], $0x80, $0x38;
	[tilespmem:$0x1E900] =	vst v63  }
0x1e: {  	_ = 	snop  }
0x1f: {  	[tilespmem:s18], [sflag:$0x5] =	stream.linear.gather [hbm4b:s9+s4], $0x80, $0x38;
	[tilespmem:$0x1E900] =	vst v63  }
0x20: {  	_ = 	snop  }
0x21: {  	[tilespmem:s19], [sflag:$0x1] =	stream.indirect.gather [hbm4b:s5+s21], $0x80, s4, s21, $0xb8;
	[tilespmem:$0x1E900] =	vst v63  }
0x22: {  	_ =	swait.ge [sflag:s20], $0x80  }
0x23: {  	[sflag:s20] =	ssyncset.done $0x0  }
0x24: {  	[sflag:s20] =	ssyncadd.s32 $0xFFFFFF80  }
0x25: {  	_ =	swait.ge [sflag:s16], $0x4000  }
0x26: {  	[sflag:s16] =	ssyncset.done $0x0  }
0x27: {  	[sflag:s16] =	ssyncadd.s32 $0xFFFFC000  }
0x28: {  	[tilespmem:s22], [sflag:$0x2] =	stream.indirect.gather [hbm4b:s5+s21], $0x80, s21, s21, $0xb8;
	[tilespmem:$0x1E900] =	vst v63  }
0x29: {  	_ = 	snop  }
0x2a: {  	[spmem:s3] =	stream.indirect.scatter.add.f32 [tilespmem:s19], [sflag:$0x3], $0x80, s17, s21, $0xb8;
	[tilespmem:$0x1E900] =	vst v63  }
0x2b: {  	_ =	swait.ge [sflag:s23], $0x80  }
0x2c: {  	[sflag:s23] =	ssyncset.done $0x0  }
0x2d: {  	[sflag:s23] =	ssyncadd.s32 $0xFFFFFF80  }
0x2e: {  	_ =	swait.ge [sflag:s24], $0x4000  }
0x2f: {  	[sflag:s24] =	ssyncset.done $0x0  }
0x30: {  	[sflag:s24] =	ssyncadd.s32 $0xFFFFC000  }
0x31: {  	_ =	swait.ge [sflag:s25], $0x4000  }
0x32: {  	[sflag:s25] =	ssyncset.done $0x0  }
0x33: {  	s29 =	simm.s32 $0x100;
	[sflag:s25] =	ssyncadd.s32 $0xFFFFC000  }
0x34: {  	[tilespmem:s19], [sflag:$0x1] =	stream.indirect.gather [hbm4b:s5+s21], $0x80, s29, s21, $0xb8;
	[tilespmem:$0x1E900] =	vst v63  }
0x35: {  	s29 =	sadd.s32 $0x0, s13  }
0x36: {  	[tilespmem:s17], [sflag:$0x4] =	stream.linear.gather [hbm4b:s29+s4], $0x80, $0x38;
	[tilespmem:$0x1E900] =	vst v63  }
0x37: {  	_ = 	snop  }
0x38: {  	[spmem:s3] =	stream.indirect.scatter.add.f32 [tilespmem:s22], [sflag:$0x6], $0x80, s18, s21, $0xb8;
	[tilespmem:$0x1E900] =	vst v63  }
0x39: {  	_ =	swait.ge [sflag:s15], $0x4000  }
0x3a: {  	s31 =	sadd.s32 $0x0, s12;
	[sflag:s15] =	ssyncset.done $0x0  }
0x3b: {  	s30 =	simm.s32 $0x180;
	s29 =	simm.s32 $0x20;
	[sflag:s15] =	ssyncadd.s32 $0xFFFFC000  }
.LBB2_2:
0x3c: {  	[tilespmem:s18], [sflag:$0x5] =	stream.linear.gather [hbm4b:s31+s4], $0x80, $0x38;
	[tilespmem:$0x1E900] =	vst v63  }
0x3d: {  	s31 =	smov.u32 s29  }
0x3e: {  	p0 =	sne.s32 s29, $0x4C0;
	s29 =	sadd.s32 $0x20, s29;
	_ =	swait.ge [sflag:s20], $0x80  }
0x3f: {  	[sflag:s20] =	ssyncset.done $0x0  }
0x40: {  	[sflag:s20] =	ssyncadd.s32 $0xFFFFFF80  }
0x41: {  	_ =	swait.ge [sflag:s16], $0x4000  }
0x42: {  	[sflag:s16] =	ssyncset.done $0x0  }
0x43: {  	[sflag:s16] =	ssyncadd.s32 $0xFFFFC000  }
0x44: {  	[tilespmem:s22], [sflag:$0x2] =	stream.indirect.gather [hbm4b:s5+s21], $0x80, s30, s21, $0xb8;
	[tilespmem:$0x1E900] =	vst v63  }
0x45: {  	_ = 	snop  }
0x46: {  	[spmem:s3] =	stream.indirect.scatter.add.f32 [tilespmem:s19], [sflag:$0x3], $0x80, s17, s21, $0xb8;
	[tilespmem:$0x1E900] =	vst v63  }
0x47: {  	_ =	swait.ge [sflag:s23], $0x80  }
0x48: {  	[sflag:s23] =	ssyncset.done $0x0  }
0x49: {  	[sflag:s23] =	ssyncadd.s32 $0xFFFFFF80  }
0x4a: {  	_ =	swait.ge [sflag:s24], $0x4000  }
0x4b: {  	[sflag:s24] =	ssyncset.done $0x0  }
0x4c: {  	[sflag:s24] =	ssyncadd.s32 $0xFFFFC000  }
0x4d: {  	_ =	swait.ge [sflag:s25], $0x4000  }
0x4e: {  	[sflag:s25] =	ssyncset.done $0x0  }
0x4f: {  	s1 =	sadd.s32 $0x80, s30;
	[sflag:s25] =	ssyncadd.s32 $0xFFFFC000  }
0x50: {  	[tilespmem:s19], [sflag:$0x1] =	stream.indirect.gather [hbm4b:s5+s21], $0x80, s1, s21, $0xb8;
	[tilespmem:$0x1E900] =	vst v63  }
0x51: {  	s1 =	sadd.s32 s31, s13  }
0x52: {  	[tilespmem:s17], [sflag:$0x4] =	stream.linear.gather [hbm4b:s1+s4], $0x80, $0x38;
	[tilespmem:$0x1E900] =	vst v63  }
.Ltmp0:
0x53: {  	(pc) =	sbr.rel @p0 .LBB2_2-.Ltmp0, $4  }
0x54: {  	[spmem:s3] =	stream.indirect.scatter.add.f32 [tilespmem:s22], [sflag:$0x6], $0x80, s18, s21, $0xb8;
	[tilespmem:$0x1E900] =	vst v63  }
0x55: {  	_ =	swait.ge [sflag:s15], $0x4000  }
0x56: {  	[sflag:s15] =	ssyncset.done $0x0  }
0x57: {  	s30 =	sadd.s32 $0x100, s30;
	s31 =	sadd.s32 s31, s12;
	[sflag:s15] =	ssyncadd.s32 $0xFFFFC000  }
0x58: {  	[tilespmem:s18], [sflag:$0x5] =	stream.linear.gather [hbm4b:s31+s4], $0x80, $0x38;
	[tilespmem:$0x1E900] =	vst v63  }
0x59: {  	_ =	swait.ge [sflag:s20], $0x80  }
0x5a: {  	[sflag:s20] =	ssyncset.done $0x0  }
0x5b: {  	[sflag:s20] =	ssyncadd.s32 $0xFFFFFF80  }
0x5c: {  	_ =	swait.ge [sflag:s16], $0x4000  }
0x5d: {  	[sflag:s16] =	ssyncset.done $0x0  }
0x5e: {  	[sflag:s16] =	ssyncadd.s32 $0xFFFFC000  }
0x5f: {  	[tilespmem:s22], [sflag:$0x2] =	stream.indirect.gather [hbm4b:s5+s21], $0x80, s26, s21, $0xb8;
	[tilespmem:$0x1E900] =	vst v63  }
0x60: {  	_ = 	snop  }
0x61: {  	[spmem:s3] =	stream.indirect.scatter.add.f32 [tilespmem:s19], [sflag:$0x3], $0x80, s17, s21, $0xb8;
	[tilespmem:$0x1E900] =	vst v63  }
0x62: {  	_ =	swait.ge [sflag:s23], $0x80  }
0x63: {  	[sflag:s23] =	ssyncset.done $0x0  }
0x64: {  	[sflag:s23] =	ssyncadd.s32 $0xFFFFFF80  }
0x65: {  	_ =	swait.ge [sflag:s24], $0x4000  }
0x66: {  	[sflag:s24] =	ssyncset.done $0x0  }
0x67: {  	[sflag:s24] =	ssyncadd.s32 $0xFFFFC000  }
0x68: {  	_ =	swait.ge [sflag:s25], $0x4000  }
0x69: {  	[sflag:s25] =	ssyncset.done $0x0  }
0x6a: {  	[sflag:s25] =	ssyncadd.s32 $0xFFFFC000  }
0x6b: {  	[spmem:s3] =	stream.indirect.scatter.add.f32 [tilespmem:s22], [sflag:$0x6], $0x80, s18, s21, $0xb8;
	[tilespmem:$0x1E900] =	vst v63  }
0x6c: {  	_ =	swait.ge [sflag:s15], $0x4000  }
0x6d: {  	s28 =	sadd.s32 $0x1, s28;
	[sflag:s15] =	ssyncset.done $0x0  }
0x6e: {  	p0 =	sne.s32 s28, s11;
	[sflag:s15] =	ssyncadd.s32 $0xFFFFC000  }
.Ltmp1:
0x6f: {  	[bflag:$0x0] =	sbarrier.arrive $0xFFFF;
	(pc) =	sbr.rel @p0 .LBB2_1-.Ltmp1, $4  }
0x70: {  	[hbm:s10], [sflag:s8] =	dma.local [spmem:s14], $0x2800  }
0x71: {  	_ =	swait.ge [sflag:s15], $0x2800  }
0x72: {  	[sflag:s15] =	ssyncset.done $0x0  }
0x73: {  	[sflag:s15] =	ssyncadd.s32 $0xFFFFD800  }
0x74: {  	_ =	sfence.sel $0x180000  }
0x75: {  	[bflag:$0x0] =	sbarrier.arrive $0xFFFF  }
0x76: {  	_ =	strace $0x9000004D  }
0x77: {  	[bflag:$0x2] =	sbarrier.arrive $0xFFFF  }
0x78: {  	p0 =	sne.s32 s0, $0x0;
	s0 =	rddreg [dreg:$0x3]  }
0x79: {  	s0 =	sadd.s32 @!p0 $0x100000, s0  }
0x7a: {  	[sflag:s0] =	ssyncadd.tile.s32 @!p0 $0x1;
	_ =	shalt  }
.Lfunc_end2:
_tile_overlayer_lowered:
.L_overlay_start_2:
0x7b: {  	(tag) =	ssettag $0x2  }
0x7c: {  	s0 =	rddreg [dreg:$0x0];
	s2 =	stileid.u32  }
0x7d: {  	s1 =	rddreg [dreg:$0x1];
	p0 =	sne.s32 s2, $0x0  }
0x7e: {  	s3 =	rddreg [dreg:$0x2];
	[bflag:$0x3] =	sbarrier.arrive $0xFFFF;
	s2 =	simm.s32 @!p0 $0x1C06  }
0x7f: {  	[timem:s3], [sflag:s2] =	dma.local @!p0 [hbm:s0], s1  }
0x80: {  	s0 =	simm.s32 @!p0 $0x6  }
0x81: {  	_ =	swait.ge @!p0 [sflag:s0], s1  }
0x82: {  	s1 =	ssub.s32 @!p0 $0x0, s1;
	[sflag:s0] =	ssyncset.done @!p0 $0x0  }
0x83: {  	[sflag:s0] =	ssyncadd.s32 @!p0 s1  }
0x84: {  	[bflag:$0x3] =	sbarrier.arrive $0xFFFF  }
0x85: {  	_ =	shalt  }

// kernel: kernel.19.cloned.1.call-start
scs
__scs_entry_jumppad:
0x0: {  	(pc) =	sbr.rel $0x88, $3  }
0x1: {  	(tag) =	ssettag $0x0;
	lr =	simm.s32 $0x1  }
0x2: {  	[smem:$0x3F99] =	sst lr;
	_ =	strace $0xD0000000  }
0x3: {  	_ = 	snop  }
0x4: {  	_ = 	snop  }
0x5: {  	_ = 	snop  }
0x6: {  	_ = 	snop  }
0x7: {  	_ = 	snop  }
__scs_overlays_trampoline_lowered:
0x8: {  	[smem:$0x3FA8] =	sst s0  }
0x9: {  	[smem:$0x3FA9] =	sst s1  }
0xa: {  	[smem:$0x3FAA] =	sst s2  }
0xb: {  	[smem:$0x3FAB] =	sst s3  }
0xc: {  	[smem:$0x3FAC] =	sst s4  }
0xd: {  	[smem:$0x3FAD] =	sst s5  }
0xe: {  	[smem:$0x3FAE] =	sst s6  }
0xf: {  	[smem:$0x3FAF] =	sst s7  }
0x10: {  	[smem:$0x3FB0] =	sst s8  }
0x11: {  	[smem:$0x3FB1] =	sst s9;
	s0 =	simm.s32 @!p0 $0x0  }
0x12: {  	s1 =	sld [smem:$0x3F97];
	s0 =	simm.s32 @p0 $0x1  }
0x13: {  	[smem:$0x3FB2] =	sst s0;
	s0 =	simm.s32 @!p1 $0x0  }
0x14: {  	s2 =	sld [smem:$0x3F96];
	s0 =	simm.s32 @p1 $0x1  }
0x15: {  	[smem:$0x3FB3] =	sst s0;
	s0 =	simm.s32 @!p2 $0x0  }
0x16: {  	s3 =	sld [smem:$0x3FDB];
	s0 =	simm.s32 @p2 $0x1  }
0x17: {  	s4 =	simm.s32 $0x1BF5;
	[smem:$0x3FB5] =	sst s0  }
0x18: {  	s0 =	sld [smem:$0x3F98];
	_ =	swait.ge [sflag:s4], $0x0  }
0x19: {  	s7 =	sld [smem:$0x3F99]  }
0x1a: {  	s8 =	sadd.s32 $0xFFFFE003, lr  }
0x1b: {  	s9 =	sadd.s32 $0xFFFFFEF7, lr;
	s5 =	simm.s32 $0xFFFFFFFF;
	p2 =	slt.u32 s8, $0xFFFFF086  }
0x1c: {  	p1 =	slt.u32 s9, $0xF7A;
	s5 =	simm.s32 @!p2 $0x0  }
0x1d: {  	s5 =	simm.s32 @p1 $0x1;
	p0 =	seq.s32 s7, s2  }
0x1e: {  	s7 =	smul.u32 @!p0 $0xF7A, s2;
	p2 =	seq.s32 @!p0 s5, $0x0  }
0x1f: {  	s9 =	smul.u32 $0xF7A, s1;
	s8 =	simm.s32 @!p0 $0x1BF5;
	p2 =	por !p2, p0  }
0x20: {  	[sflag:s8] =	ssyncset.s32 @!p0 $0xFFFFF086;
	s6 =	sadd.s32 @!p0 s3, s7;
	s7 =	simm.s32 @!p0 $0x108  }
0x21: {  	s3 =	sadd.s32 s3, s9;
	s6 =	sadd.s32 @!p0 $0x88, s6;
	s7 =	simm.s32 @p2 $0x1082  }
0x22: {  	[simem:s7], [sflag:s8] =	dma.local @!p0 [hbm:s6], $0xF7A  }
0x23: {  	s9 =	sor.u32 $0xD0000000, s2;
	s6 =	simm.s32 $0x108;
	_ =	swait.ge @!p0 [sflag:s8], $0x0  }
0x24: {  	s3 =	sadd.s32 $0x88, s3;
	s6 =	simm.s32 @!p1 $0x1082;
	[sflag:s4] =	ssyncset.s32 $0xFFFFF086  }
0x25: {  	[simem:s6], [sflag:s4] =	dma.local [hbm:s3], $0xF7A  }
0x26: {  	[smem:$0x3F99] =	sst s1;
	(tag) =	ssettag s2;
	_ =	strace s9  }
0x27: {  	s1 =	sld [smem:$0x3FA9]  }
0x28: {  	s2 =	sld [smem:$0x3FAA]  }
0x29: {  	s4 =	sld [smem:$0x3FAC]  }
0x2a: {  	p0 =	seq.s32 s5, $0x0;
	s5 =	sld [smem:$0x3FAD]  }
0x2b: {  	s6 =	sld [smem:$0x3FAE]  }
0x2c: {  	s7 =	sld [smem:$0x3FAF]  }
0x2d: {  	s3 =	simm.s32 $0x108;
	s8 =	sld [smem:$0x3FB0]  }
0x2e: {  	s3 =	simm.s32 @!p0 $0x1082;
	s9 =	sld [smem:$0x3FB1]  }
0x2f: {  	lr =	sadd.s32 s0, s3;
	s0 =	sld [smem:$0x3FA8]  }
0x30: {  	s3 =	sld [smem:$0x3FAB]  }
0x31: {  	[smem:$0x3FB4] =	sst s10  }
0x32: {  	s10 =	sld [smem:$0x3FB2];
	_ =	sdelay $0x3  }
0x33: {  	p0 =	seq.s32 s10, $0x1;
	s10 =	sld [smem:$0x3FB4];
	_ =	sdelay $0x3  }
0x34: {  	[smem:$0x3FB4] =	sst s10  }
0x35: {  	s10 =	sld [smem:$0x3FB3];
	_ =	sdelay $0x3  }
0x36: {  	p1 =	seq.s32 s10, $0x1;
	s10 =	sld [smem:$0x3FB4];
	_ =	sdelay $0x3  }
0x37: {  	[smem:$0x3FB4] =	sst s10  }
0x38: {  	s10 =	sld [smem:$0x3FB5]  }
0x39: {  	_ = 	snop;
	(pc) =	sbr.ind lr, $3  }
0x3a: {  	_ = 	snop  }
0x3b: {  	_ = 	snop  }
0x3c: {  	p2 =	seq.s32 s10, $0x1;
	s10 =	sld [smem:$0x3FB4]  }
0x3d: {  	_ =	shalt  }
0x3e: {  	_ =	shalt  }
0x3f: {  	_ =	shalt  }
0x40: {  	_ =	shalt  }
0x41: {  	_ =	shalt  }
0x42: {  	_ =	shalt  }
0x43: {  	_ =	shalt  }
0x44: {  	_ =	shalt  }
0x45: {  	_ =	shalt  }
0x46: {  	_ =	shalt  }
0x47: {  	_ =	shalt  }
0x48: {  	_ =	shalt  }
0x49: {  	_ =	shalt  }
0x4a: {  	_ =	shalt  }
0x4b: {  	_ =	shalt  }
0x4c: {  	_ =	shalt  }
0x4d: {  	_ =	shalt  }
0x4e: {  	_ =	shalt  }
0x4f: {  	_ =	shalt  }
0x50: {  	_ =	shalt  }
0x51: {  	_ =	shalt  }
0x52: {  	_ =	shalt  }
0x53: {  	_ =	shalt  }
0x54: {  	_ =	shalt  }
0x55: {  	_ =	shalt  }
0x56: {  	_ =	shalt  }
0x57: {  	_ =	shalt  }
0x58: {  	_ =	shalt  }
0x59: {  	_ =	shalt  }
0x5a: {  	_ =	shalt  }
0x5b: {  	_ =	shalt  }
0x5c: {  	_ =	shalt  }
0x5d: {  	_ =	shalt  }
0x5e: {  	_ =	shalt  }
0x5f: {  	_ =	shalt  }
0x60: {  	_ =	shalt  }
0x61: {  	_ =	shalt  }
0x62: {  	_ =	shalt  }
0x63: {  	_ =	shalt  }
0x64: {  	_ =	shalt  }
0x65: {  	_ =	shalt  }
0x66: {  	_ =	shalt  }
0x67: {  	_ =	shalt  }
0x68: {  	_ =	shalt  }
0x69: {  	_ =	shalt  }
0x6a: {  	_ =	shalt  }
0x6b: {  	_ =	shalt  }
0x6c: {  	_ =	shalt  }
0x6d: {  	_ =	shalt  }
0x6e: {  	_ =	shalt  }
0x6f: {  	_ =	shalt  }
0x70: {  	_ =	shalt  }
0x71: {  	_ =	shalt  }
0x72: {  	_ =	shalt  }
0x73: {  	_ =	shalt  }
0x74: {  	_ =	shalt  }
0x75: {  	_ =	shalt  }
0x76: {  	_ =	shalt  }
0x77: {  	_ =	shalt  }
0x78: {  	_ =	shalt  }
0x79: {  	_ =	shalt  }
0x7a: {  	_ =	shalt  }
0x7b: {  	_ =	shalt  }
0x7c: {  	_ =	shalt  }
0x7d: {  	_ =	shalt  }
0x7e: {  	_ =	shalt  }
0x7f: {  	_ =	shalt  }
0x80: {  	_ =	shalt  }
0x81: {  	_ =	shalt  }
0x82: {  	_ =	shalt  }
0x83: {  	_ =	shalt  }
0x84: {  	_ =	shalt  }
0x85: {  	_ =	shalt  }
0x86: {  	_ =	shalt  }
0x87: {  	_ =	shalt  }
.Lfunc_end0:
.L_simem_size_0:
called_computation.3_lowered:
.L_overlay_start_0:
0x88: {  	s2 =	sld [smem:$0x3FD9]  }
0x89: {  	s3 =	sld [smem:$0x3FFE];
	_ =	sdelay $0x1  }
0x8a: {  	s1 =	srdreg.scid  }
0x8b: {  	s0 =	sand.u32 $0x1, s1  }
0x8c: {  	s17 =	sshll.u32 s0, $0xA;
	s2 =	sadd.s32 s3, s2  }
0x8d: {  	s2 =	sadd.s32 s2, s17  }
0x8e: {  	[smem:$0x3FC0] =	sst s2  }
0x8f: {  	_ = 	snop  }
0x90: {  	s2 =	sld [smem:$0x3FD0];
	(tm) =	ssettm $0x1  }
0x91: {  	s18 =	sld [smem:$0x3FFB];
	_ =	sdelay $0x3  }
0x92: {  	_ =	strace s18  }
0x93: {  	s3 =	sld [smem:$0x3FFC];
	_ =	sdelay $0x3  }
0x94: {  	_ =	strace s3  }
0x95: {  	s3 =	sld [smem:$0x3FFD];
	_ =	sdelay $0x3  }
0x96: {  	_ =	strace s3  }
0x97: {  	_ =	strace $0x8FFFFFFF  }
0x98: {  	s19 =	sld [smem:$0x3FDB];
	_ =	sdelay $0x1  }
0x99: {  	s4 =	simm.s32 $_scs_section_size  }
0x9a: {  	s5 =	simm.s32 $_size__tile_overlayer_lowered;
	s6 =	simm.s32 $_tile_overlayer_lowered  }
0x9b: {  	s22 =	simm.s32 $0x1BFF;
	s21 =	sshll.u32 s6, $0x1;
	s3 =	sadd.s32 s4, s19  }
0x9c: {  	s7 =	simm.s32 $0x0;
	s20 =	sshll.u32 s5, $0x1;
	s5 =	sadd.s32 s21, s3  }
0x9d: {  	[timem:s7], [sflag:s22] =	dma.local [hbm:s5], s20  }
0x9e: {  	_ =	swait.ge [sflag:s22], s20  }
0x9f: {  	s4 =	ssub.s32 $0x0, s20;
	[sflag:s22] =	ssyncset.done $0x0  }
0xa0: {  	[sflag:s22] =	ssyncadd.s32 s4;
	_ =	sdelay $0x1  }
0xa1: {  	s23 =	simm.s32 $0x1B8B  }
0xa2: {  	_ =	swait.ge [sflag:s23], $0x1  }
0xa3: {  	[sflag:s23] =	ssyncset.done $0x0  }
0xa4: {  	s25 =	simm.s32 $0x1B8E;
	s24 =	sld [smem:$0x3FFE];
	[sflag:s23] =	ssyncadd.s32 $0xFFFFFFFF  }
0xa5: {  	s26 =	simm.s32 $execute0_lowered;
	[smem:$0x3FD2] =	sst s25  }
0xa6: {  	s5 =	sshll.u32 s26, $0x1;
	_ =	strace $0x8000004F;
	[dreg:$0x1] =	wrdreg $0xFFFFFFFF  }
0xa7: {  	s28 =	simm.s32 $_size_execute0_lowered;
	s3 =	sadd.s32 s3, s5;
	[dreg:$0x0] =	wrdreg $0x0  }
0xa8: {  	s5 =	sshll.u32 s28, $0x1;
	[dreg:$0x2] =	wrdreg s3  }
0xa9: {  	[dreg:$0x3] =	wrdreg s5  }
0xaa: {  	[dreg:$0x4] =	wrdreg $0xC0  }
0xab: {  	_ =	task [dreg:s7], $0x5FFFF  }
0xac: {  	[dreg:$0x1] =	wrdreg $0xFFFFFFFF  }
0xad: {  	[dreg:$0x0] =	wrdreg $0x60  }
0xae: {  	[dreg:$0x2] =	wrdreg s24  }
0xaf: {  	[dreg:$0x3] =	wrdreg s2  }
0xb0: {  	[dreg:$0x4] =	wrdreg $0xA9000  }
0xb1: {  	[dreg:$0x5] =	wrdreg $0x9  }
0xb2: {  	_ =	task.clear_ibuf [dreg:s7], $0x6FFFF;
	_ =	strace $0x9000004F  }
0xb3: {  	s29 =	simm.s32 $0x9;
	_ =	strace $0x80000051  }
0xb4: {  	_ =	swait.ge [sflag:s29], $0x1  }
0xb5: {  	[sflag:s29] =	ssyncadd.s32 $0xFFFFFFFF  }
0xb6: {  	_ =	strace $0x90000051  }
0xb7: {  	_ =	sfence  }
0xb8: {  	s30 =	sld [smem:$0x0];
	_ =	sdelay $0x2  }
0xb9: {  	s31 =	sshll.u32 s1, $0xD;
	s1 =	sshrl.u32 s1, $0x2  }
0xba: {  	s3 =	sand.u32 $0x4000, s31;
	s1 =	sadd.s32 s1, s30  }
0xbb: {  	s0 =	sor.u32 s3, s0;
	s1 =	sshll.u32 s1, $0x11  }
0xbc: {  	s0 =	sor.u32 s1, s0  }
0xbd: {  	s0 =	sadd.s32 $0x8F2B, s0  }
0xbe: {  	[sflag:s0] =	ssyncadd.remote.s32 $0x1  }
0xbf: {  	_ =	sfence.sel $0xFFFF  }
0xc0: {  	[dreg:$0x0] =	wrdreg $0xFFFFFFFF;
	(pc) =	sbr.abs _section_cstart, $3  }
0xc1: {  	[dreg:$0x1] =	wrdreg $0xFFFFFFFF  }
0xc2: {  	_ =	task.clear_ibuf [dreg:s7], $0x2FFFF;
	_ =	strace $0x9FFFFFFF  }
0xc3: {  	(tm) =	ssettm $0x7FFFFFFF  }
tec
execute0_lowered:
.L_overlay_start_1:
0x0: {  	(tag) =	ssettag $0x1  }
0x1: {  	s7 =	rddreg [dreg:$0x0]  }
0x2: {  	s2 =	rddreg [dreg:$0x1]  }
0x3: {  	s0 =	srdreg.scid;
	s3 =	rddreg [dreg:$0x2];
	s4 =	simm.s32 $0x0  }
0x4: {  	s18 =	simm.s32 $0x2880;
	s19 =	simm.s32 $0x2900;
	s20 =	simm.s32 $0x4  }
0x5: {  	s21 =	simm.s32 $0x80;
	s22 =	simm.s32 $0x6900;
	s23 =	simm.s32 $0x5  }
0x6: {  	s28 =	simm.s32 $0x0;
	s6 =	sand.u32 $0x1, s0;
	s0 =	stileid.u32  }
0x7: {  	[smem:$0x7FF] =	sst s4;
	s13 =	sadd.s32 $0xE400, s7;
	s8 =	smul.u32 $0x2800, s0  }
0x8: {  	s1 =	sshll.u32 s6, $0x4;
	s10 =	smul.u32 $0x28000, s6;
	_ =	strace $0x80000050  }
0x9: {  	s6 =	ssub.s32 $0x2, s6;
	s24 =	smul.u32 $0x50000, s0;
	s1 =	sor.u32 s0, s1  }
0xa: {  	s29 =	sshll.u32 s0, $0x6;
	s25 =	sshrl.u32 s6, $0x1;
	s5 =	smul.u32 $0x2800, s1  }
0xb: {  	s12 =	sadd.s32 s8, s10;
	s14 =	ssub.s32 s6, s25;
	s26 =	sshrl.u32 s24, $0x2  }
0xc: {  	s8 =	sor.u32 $0x1C06, s29;
	s24 =	simm.s32 $0x2;
	s25 =	simm.s32 $0x3  }
0xd: {  	s10 =	sadd.s32 s12, s7;
	s15 =	sadd.s32 s26, s3;
	s30 =	sor.u32 $0x180, s12  }
0xe: {  	s17 =	sor.u32 $0x100, s12;
	s26 =	simm.s32 $0x2780;
	s9 =	sshrl.u32 s5, $0x3  }
0xf: {  	s5 =	sadd.s32 $0x18400, s7;
	s10 =	sadd.s32 $0x40400, s10;
	s16 =	sshrl.u32 s30, $0x3  }
0x10: {  	s31 =	sshrl.u32 s17, $0x3;
	s17 =	simm.s32 $0x2800;
	s11 =	sadd.s32 s9, s7  }
0x11: {  	s7 =	sadd.s32 s13, s9;
	s12 =	sadd.s32 s16, s13;
	s13 =	sadd.s32 s31, s13  }
0x12: {  	s16 =	simm.s32 $0x1;
	s6 =	sadd.s32 $0x4400, s11;
	s9 =	sadd.s32 $0x10, s7  }
0x13: {  	s11 =	smax.u32 s14, $0x1;
	s14 =	sshrl.u32 s15, $0x3;
	s15 =	simm.s32 $0x6  }
.LBB2_1:
0x14: {  	[tilespmem:s4], [sflag:$0x1] =	stream.linear.gather [hbm4b:s6+s4], $0x2800, $0x38;
	[tilespmem:$0x1E900] =	vst v63  }
0x15: {  	[spmem:s14], [sflag:s8] =	dma.local [hbm:s2], $0x2800  }
0x16: {  	_ =	swait.ge [sflag:s15], $0x2800  }
0x17: {  	[sflag:s15] =	ssyncset.done $0x0  }
0x18: {  	[sflag:s15] =	ssyncadd.s32 $0xFFFFD800  }
0x19: {  	_ =	swait.ge [sflag:s16], $0x2800  }
0x1a: {  	[sflag:s16] =	ssyncset.done $0x0  }
0x1b: {  	[sflag:s16] =	ssyncadd.s32 $0xFFFFD800  }
0x1c: {  	[bflag:$0x0] =	sbarrier.arrive $0xFFFF  }
0x1d: {  	[tilespmem:s17], [sflag:$0x4] =	stream.linear.gather [hbm4b:s7+s4], $0x80, $0x38;
	[tilespmem:$0x1E900] =	vst v63  }
0x1e: {  	_ = 	snop  }
0x1f: {  	[tilespmem:s18], [sflag:$0x5] =	stream.linear.gather [hbm4b:s9+s4], $0x80, $0x38;
	[tilespmem:$0x1E900] =	vst v63  }
0x20: {  	_ = 	snop  }
0x21: {  	[tilespmem:s19], [sflag:$0x1] =	stream.indirect.gather [hbm4b:s5+s21], $0x80, s4, s21, $0xb8;
	[tilespmem:$0x1E900] =	vst v63  }
0x22: {  	_ =	swait.ge [sflag:s20], $0x80  }
0x23: {  	[sflag:s20] =	ssyncset.done $0x0  }
0x24: {  	[sflag:s20] =	ssyncadd.s32 $0xFFFFFF80  }
0x25: {  	_ =	swait.ge [sflag:s16], $0x4000  }
0x26: {  	[sflag:s16] =	ssyncset.done $0x0  }
0x27: {  	[sflag:s16] =	ssyncadd.s32 $0xFFFFC000  }
0x28: {  	[tilespmem:s22], [sflag:$0x2] =	stream.indirect.gather [hbm4b:s5+s21], $0x80, s21, s21, $0xb8;
	[tilespmem:$0x1E900] =	vst v63  }
0x29: {  	_ = 	snop  }
0x2a: {  	[spmem:s3] =	stream.indirect.scatter.add.f32 [tilespmem:s19], [sflag:$0x3], $0x80, s17, s21, $0xb8;
	[tilespmem:$0x1E900] =	vst v63  }
0x2b: {  	_ =	swait.ge [sflag:s23], $0x80  }
0x2c: {  	[sflag:s23] =	ssyncset.done $0x0  }
0x2d: {  	[sflag:s23] =	ssyncadd.s32 $0xFFFFFF80  }
0x2e: {  	_ =	swait.ge [sflag:s24], $0x4000  }
0x2f: {  	[sflag:s24] =	ssyncset.done $0x0  }
0x30: {  	[sflag:s24] =	ssyncadd.s32 $0xFFFFC000  }
0x31: {  	_ =	swait.ge [sflag:s25], $0x4000  }
0x32: {  	[sflag:s25] =	ssyncset.done $0x0  }
0x33: {  	s29 =	simm.s32 $0x100;
	[sflag:s25] =	ssyncadd.s32 $0xFFFFC000  }
0x34: {  	[tilespmem:s19], [sflag:$0x1] =	stream.indirect.gather [hbm4b:s5+s21], $0x80, s29, s21, $0xb8;
	[tilespmem:$0x1E900] =	vst v63  }
0x35: {  	s29 =	sadd.s32 $0x0, s13  }
0x36: {  	[tilespmem:s17], [sflag:$0x4] =	stream.linear.gather [hbm4b:s29+s4], $0x80, $0x38;
	[tilespmem:$0x1E900] =	vst v63  }
0x37: {  	_ = 	snop  }
0x38: {  	[spmem:s3] =	stream.indirect.scatter.add.f32 [tilespmem:s22], [sflag:$0x6], $0x80, s18, s21, $0xb8;
	[tilespmem:$0x1E900] =	vst v63  }
0x39: {  	_ =	swait.ge [sflag:s15], $0x4000  }
0x3a: {  	s31 =	sadd.s32 $0x0, s12;
	[sflag:s15] =	ssyncset.done $0x0  }
0x3b: {  	s30 =	simm.s32 $0x180;
	s29 =	simm.s32 $0x20;
	[sflag:s15] =	ssyncadd.s32 $0xFFFFC000  }
.LBB2_2:
0x3c: {  	[tilespmem:s18], [sflag:$0x5] =	stream.linear.gather [hbm4b:s31+s4], $0x80, $0x38;
	[tilespmem:$0x1E900] =	vst v63  }
0x3d: {  	s31 =	smov.u32 s29  }
0x3e: {  	p0 =	sne.s32 s29, $0x4C0;
	s29 =	sadd.s32 $0x20, s29;
	_ =	swait.ge [sflag:s20], $0x80  }
0x3f: {  	[sflag:s20] =	ssyncset.done $0x0  }
0x40: {  	[sflag:s20] =	ssyncadd.s32 $0xFFFFFF80  }
0x41: {  	_ =	swait.ge [sflag:s16], $0x4000  }
0x42: {  	[sflag:s16] =	ssyncset.done $0x0  }
0x43: {  	[sflag:s16] =	ssyncadd.s32 $0xFFFFC000  }
0x44: {  	[tilespmem:s22], [sflag:$0x2] =	stream.indirect.gather [hbm4b:s5+s21], $0x80, s30, s21, $0xb8;
	[tilespmem:$0x1E900] =	vst v63  }
0x45: {  	_ = 	snop  }
0x46: {  	[spmem:s3] =	stream.indirect.scatter.add.f32 [tilespmem:s19], [sflag:$0x3], $0x80, s17, s21, $0xb8;
	[tilespmem:$0x1E900] =	vst v63  }
0x47: {  	_ =	swait.ge [sflag:s23], $0x80  }
0x48: {  	[sflag:s23] =	ssyncset.done $0x0  }
0x49: {  	[sflag:s23] =	ssyncadd.s32 $0xFFFFFF80  }
0x4a: {  	_ =	swait.ge [sflag:s24], $0x4000  }
0x4b: {  	[sflag:s24] =	ssyncset.done $0x0  }
0x4c: {  	[sflag:s24] =	ssyncadd.s32 $0xFFFFC000  }
0x4d: {  	_ =	swait.ge [sflag:s25], $0x4000  }
0x4e: {  	[sflag:s25] =	ssyncset.done $0x0  }
0x4f: {  	s1 =	sadd.s32 $0x80, s30;
	[sflag:s25] =	ssyncadd.s32 $0xFFFFC000  }
0x50: {  	[tilespmem:s19], [sflag:$0x1] =	stream.indirect.gather [hbm4b:s5+s21], $0x80, s1, s21, $0xb8;
	[tilespmem:$0x1E900] =	vst v63  }
0x51: {  	s1 =	sadd.s32 s31, s13  }
0x52: {  	[tilespmem:s17], [sflag:$0x4] =	stream.linear.gather [hbm4b:s1+s4], $0x80, $0x38;
	[tilespmem:$0x1E900] =	vst v63  }
.Ltmp0:
0x53: {  	(pc) =	sbr.rel @p0 .LBB2_2-.Ltmp0, $4  }
0x54: {  	[spmem:s3] =	stream.indirect.scatter.add.f32 [tilespmem:s22], [sflag:$0x6], $0x80, s18, s21, $0xb8;
	[tilespmem:$0x1E900] =	vst v63  }
0x55: {  	_ =	swait.ge [sflag:s15], $0x4000  }
0x56: {  	[sflag:s15] =	ssyncset.done $0x0  }
0x57: {  	s30 =	sadd.s32 $0x100, s30;
	s31 =	sadd.s32 s31, s12;
	[sflag:s15] =	ssyncadd.s32 $0xFFFFC000  }
0x58: {  	[tilespmem:s18], [sflag:$0x5] =	stream.linear.gather [hbm4b:s31+s4], $0x80, $0x38;
	[tilespmem:$0x1E900] =	vst v63  }
0x59: {  	_ =	swait.ge [sflag:s20], $0x80  }
0x5a: {  	[sflag:s20] =	ssyncset.done $0x0  }
0x5b: {  	[sflag:s20] =	ssyncadd.s32 $0xFFFFFF80  }
0x5c: {  	_ =	swait.ge [sflag:s16], $0x4000  }
0x5d: {  	[sflag:s16] =	ssyncset.done $0x0  }
0x5e: {  	[sflag:s16] =	ssyncadd.s32 $0xFFFFC000  }
0x5f: {  	[tilespmem:s22], [sflag:$0x2] =	stream.indirect.gather [hbm4b:s5+s21], $0x80, s26, s21, $0xb8;
	[tilespmem:$0x1E900] =	vst v63  }
0x60: {  	_ = 	snop  }
0x61: {  	[spmem:s3] =	stream.indirect.scatter.add.f32 [tilespmem:s19], [sflag:$0x3], $0x80, s17, s21, $0xb8;
	[tilespmem:$0x1E900] =	vst v63  }
0x62: {  	_ =	swait.ge [sflag:s23], $0x80  }
0x63: {  	[sflag:s23] =	ssyncset.done $0x0  }
0x64: {  	[sflag:s23] =	ssyncadd.s32 $0xFFFFFF80  }
0x65: {  	_ =	swait.ge [sflag:s24], $0x4000  }
0x66: {  	[sflag:s24] =	ssyncset.done $0x0  }
0x67: {  	[sflag:s24] =	ssyncadd.s32 $0xFFFFC000  }
0x68: {  	_ =	swait.ge [sflag:s25], $0x4000  }
0x69: {  	[sflag:s25] =	ssyncset.done $0x0  }
0x6a: {  	[sflag:s25] =	ssyncadd.s32 $0xFFFFC000  }
0x6b: {  	[spmem:s3] =	stream.indirect.scatter.add.f32 [tilespmem:s22], [sflag:$0x6], $0x80, s18, s21, $0xb8;
	[tilespmem:$0x1E900] =	vst v63  }
0x6c: {  	_ =	swait.ge [sflag:s15], $0x4000  }
0x6d: {  	s28 =	sadd.s32 $0x1, s28;
	[sflag:s15] =	ssyncset.done $0x0  }
0x6e: {  	p0 =	sne.s32 s28, s11;
	[sflag:s15] =	ssyncadd.s32 $0xFFFFC000  }
.Ltmp1:
0x6f: {  	[bflag:$0x0] =	sbarrier.arrive $0xFFFF;
	(pc) =	sbr.rel @p0 .LBB2_1-.Ltmp1, $4  }
0x70: {  	[hbm:s10], [sflag:s8] =	dma.local [spmem:s14], $0x2800  }
0x71: {  	_ =	swait.ge [sflag:s15], $0x2800  }
0x72: {  	[sflag:s15] =	ssyncset.done $0x0  }
0x73: {  	[sflag:s15] =	ssyncadd.s32 $0xFFFFD800  }
0x74: {  	_ =	sfence.sel $0x180000  }
0x75: {  	[bflag:$0x0] =	sbarrier.arrive $0xFFFF  }
0x76: {  	_ =	strace $0x90000050  }
0x77: {  	[bflag:$0x2] =	sbarrier.arrive $0xFFFF  }
0x78: {  	p0 =	sne.s32 s0, $0x0;
	s0 =	rddreg [dreg:$0x3]  }
0x79: {  	s0 =	sadd.s32 @!p0 $0x100000, s0  }
0x7a: {  	[sflag:s0] =	ssyncadd.tile.s32 @!p0 $0x1;
	_ =	shalt  }
.Lfunc_end2:
_tile_overlayer_lowered:
.L_overlay_start_2:
0x7b: {  	(tag) =	ssettag $0x2  }
0x7c: {  	s0 =	rddreg [dreg:$0x0];
	s2 =	stileid.u32  }
0x7d: {  	s1 =	rddreg [dreg:$0x1];
	p0 =	sne.s32 s2, $0x0  }
0x7e: {  	s3 =	rddreg [dreg:$0x2];
	[bflag:$0x3] =	sbarrier.arrive $0xFFFF;
	s2 =	simm.s32 @!p0 $0x1C06  }
0x7f: {  	[timem:s3], [sflag:s2] =	dma.local @!p0 [hbm:s0], s1  }
0x80: {  	s0 =	simm.s32 @!p0 $0x6  }
0x81: {  	_ =	swait.ge @!p0 [sflag:s0], s1  }
0x82: {  	s1 =	ssub.s32 @!p0 $0x0, s1;
	[sflag:s0] =	ssyncset.done @!p0 $0x0  }
0x83: {  	[sflag:s0] =	ssyncadd.s32 @!p0 s1  }
0x84: {  	[bflag:$0x3] =	sbarrier.arrive $0xFFFF  }
0x85: {  	_ =	shalt  }

</sc_bundles>
